<compile_context>
chip_gen: v7x
topology: tpu7x:2x2x1
jax: 0.10.2.dev20260603
libtpu: 0.0.44.dev20260713+nightly
codegen_flags: <defaults>
</compile_context>

<pallas_src>
import jax
import jax.numpy as jnp
from jax import lax
from jax.experimental import pallas as pl
from jax.experimental.pallas import tpu as pltpu
from jax.experimental.pallas import tpu_sc as plsc

N_NODES = 10000
N_EDGES = 320000
D = 128
NC, NS, L = 2, 16, 16
NW = NC * NS
EW = N_EDGES // NW
B = 80
NBLK = EW // B
NG = B // L


def _ilh_body(xp_hbm, ei_hbm, wb_hbm, out0_hbm, out1_hbm,
              sidx, didx, srow0, srow1, srow2, srow3,
              drow0, drow1, drow2, drow3, o0, o1, wbv,
              sg0, sg1, sg2, sg3):
    srow = (srow0, srow1, srow2, srow3)
    drow = (drow0, drow1, drow2, drow3)
    sg = (sg0, sg1, sg2, sg3)
    wid = lax.axis_index("s") * NC + lax.axis_index("c")
    ebase = wid * EW
    pltpu.sync_copy(wb_hbm, wbv)
    pltpu.sync_copy(ei_hbm.at[pl.ds(ebase, EW)], sidx)
    pltpu.sync_copy(ei_hbm.at[pl.ds(N_EDGES + ebase, EW)], didx)
    lane = lax.iota(jnp.int32, L)
    rots = [(lane + sh) & (L - 1) for sh in (8, 4, 2, 1)]
    w0 = wbv[0, :]
    w1 = wbv[1, :]
    b0 = wbv[2, :]
    b1 = wbv[3, :]

    def issue(blk, slot):
        boff = blk * B
        pltpu.async_copy(xp_hbm.at[sidx.at[pl.ds(boff, B)]], srow[slot], sg[slot])
        pltpu.async_copy(xp_hbm.at[didx.at[pl.ds(boff, B)]], drow[slot], sg[slot])

    def wait_gather(blk, slot):
        boff = blk * B
        pltpu.make_async_copy(
            xp_hbm.at[sidx.at[pl.ds(boff, B)]], srow[slot], sg[slot]).wait()
        pltpu.make_async_copy(
            xp_hbm.at[didx.at[pl.ds(boff, B)]], drow[slot], sg[slot]).wait()

    def compute(blk, slot):
        sr = srow[slot]
        dr = drow[slot]
        boff = blk * B

        def group(g, c):
            base_r = g * L

            def edge2(e2, s_vec):
                for half in range(2):
                    e = e2 * 2 + half
                    r = base_r + e
                    acc_a = sr[r, pl.ds(0, L)] * dr[r, pl.ds(0, L)]
                    acc_b = sr[r, pl.ds(L, L)] * dr[r, pl.ds(L, L)]
                    for k in range(2, D // L, 2):
                        acc_a = acc_a + sr[r, pl.ds(k * L, L)] * dr[r, pl.ds(k * L, L)]
                        acc_b = acc_b + sr[r, pl.ds((k + 1) * L, L)] * dr[r, pl.ds((k + 1) * L, L)]
                    cum = acc_a + acc_b
                    for rv in rots:
                        cum = cum + lax.gather(
                            cum, rv[:, None],
                            lax.GatherDimensionNumbers(
                                offset_dims=(), collapsed_slice_dims=(0,),
                                start_index_map=(0,)),
                            (1,), mode=lax.GatherScatterMode.PROMISE_IN_BOUNDS)
                    s_vec = jnp.where(lane == e, cum, s_vec)
                return s_vec

            s_vec = lax.fori_loop(0, L // 2, edge2,
                                  jnp.zeros((L,), jnp.float32), unroll=False)
            o0[pl.ds(boff + base_r, L)] = s_vec * w0 + b0
            o1[pl.ds(boff + base_r, L)] = s_vec * w1 + b1
            return c

        lax.fori_loop(0, NG, group, 0)

    for j in range(4):
        issue(j, j)

    def quad(i, c):
        for j in range(4):
            blk = 4 * i + j
            wait_gather(blk, j)
            compute(blk, j)

            @pl.when(blk + 4 < NBLK)
            def _():
                issue(blk + 4, j)

        return c

    lax.fori_loop(0, (NBLK - 1) // 4, quad, 0)

    wait_gather(NBLK - 1, 0)
    compute(NBLK - 1, 0)
    pltpu.sync_copy(o0.at[pl.ds(0, EW)], out0_hbm.at[pl.ds(ebase, EW)])
    pltpu.sync_copy(o1.at[pl.ds(0, EW)], out1_hbm.at[pl.ds(ebase, EW)])


def kernel(x, complete_edge_index, y, W, b):
    ei_flat = complete_edge_index.astype(jnp.int32).reshape(2 * N_EDGES)
    wb = jnp.stack([
        jnp.full((L,), W[0, 0], jnp.float32),
        jnp.full((L,), W[1, 0], jnp.float32),
        jnp.full((L,), b[0], jnp.float32),
        jnp.full((L,), b[1], jnp.float32),
    ])
    mesh = plsc.VectorSubcoreMesh(core_axis_name="c", subcore_axis_name="s",
                                  num_cores=NC, num_subcores=NS)
    out0, out1 = pl.kernel(
        _ilh_body,
        out_type=(jax.ShapeDtypeStruct((N_EDGES,), jnp.float32),
                  jax.ShapeDtypeStruct((N_EDGES,), jnp.float32)),
        mesh=mesh,
        compiler_params=pltpu.CompilerParams(needs_layout_passes=False),
        scratch_types=[
            pltpu.VMEM((EW,), jnp.int32),
            pltpu.VMEM((EW,), jnp.int32),
            pltpu.VMEM((B, D), jnp.float32),
            pltpu.VMEM((B, D), jnp.float32),
            pltpu.VMEM((B, D), jnp.float32),
            pltpu.VMEM((B, D), jnp.float32),
            pltpu.VMEM((B, D), jnp.float32),
            pltpu.VMEM((B, D), jnp.float32),
            pltpu.VMEM((B, D), jnp.float32),
            pltpu.VMEM((B, D), jnp.float32),
            pltpu.VMEM((EW + L,), jnp.float32),
            pltpu.VMEM((EW + L,), jnp.float32),
            pltpu.VMEM((4, L), jnp.float32),
            pltpu.SemaphoreType.DMA,
            pltpu.SemaphoreType.DMA,
            pltpu.SemaphoreType.DMA,
            pltpu.SemaphoreType.DMA,
        ],
    )(x, ei_flat, wb)
    y_pred = jnp.stack([out0, out1], axis=1)
    return (y_pred, y)

# --- scband reference (transcript-rebuilt; emitter-appended) ---
"""Pipeline reference for scband-infer-links-head-55456617726200 (READ-ONLY COPY).

The authoritative reference and input builder live on the scoring server;
editing this copy changes nothing except your own understanding.
"""

import jax, jax.numpy as jnp
import numpy as np

N_NODES = 10000
N_EDGES = 320000
D_FEAT = 128
DIM_OUT = 2


def setup_inputs(seed: int = 0) -> dict:
    key = jax.random.key(seed)
    k_x, k_ei, k_y, k_w, k_b = jax.random.split(key, 5)
    x = jax.random.normal(k_x, (N_NODES, D_FEAT), dtype=jnp.float32)
    complete_edge_index = jax.random.randint(k_ei, (2, N_EDGES), 0, N_NODES, dtype=jnp.int64)
    y = jax.random.randint(k_y, (N_EDGES,), 0, 2, dtype=jnp.int64)
    # predictor: torch.nn.Linear(1, dim_out=2)
    bound = 1.0  # 1/sqrt(fan_in=1)
    W = jax.random.uniform(k_w, (DIM_OUT, 1), dtype=jnp.float32, minval=-bound, maxval=bound)
    b = jax.random.uniform(k_b, (DIM_OUT,), dtype=jnp.float32, minval=-bound, maxval=bound)
    return {"x": x, "complete_edge_index": complete_edge_index, "y": y, "W": W, "b": b}


def reference(x, complete_edge_index, y, W, b):
    # x[batch.complete_edge_index] -> [2, E, d]
    xs = jnp.take(x, complete_edge_index, axis=0)
    # (x[0] * x[1]).sum(1) -> per-edge dot product [E]
    s = jnp.sum(xs[0] * xs[1], axis=1)
    # predictor(x.unsqueeze(1)) -> Linear(1, 2): [E, 1] @ W^T + b -> [E, 2]
    y_pred = s[:, None] @ W.T + b
    return (y_pred, y)

if __name__ == "__main__":
    import jax
    _d = setup_inputs()
    print(jax.jit(kernel)(*tuple(_d.values())))

</pallas_src>

<mosaic_0001>
#map = affine_map<(d0, d1) -> (0, 0)>
#map1 = affine_map<(d0, d1) -> (0)>
module attributes {stable_mosaic.version = 14 : i64} {
  func.func @_ilh_body(%arg0: i32, %arg1: i32, %arg2: memref<10000x128xf32, #tpu.memory_space<hbm>>, %arg3: memref<640000xi32, #tpu.memory_space<hbm>>, %arg4: memref<4x16xf32, #tpu.memory_space<hbm>>, %arg5: memref<320000xf32, #tpu.memory_space<hbm>>, %arg6: memref<320000xf32, #tpu.memory_space<hbm>>, %arg7: memref<10000xi32, #tpu.memory_space<vmem>>, %arg8: memref<10000xi32, #tpu.memory_space<vmem>>, %arg9: memref<80x128xf32, #tpu.memory_space<vmem>>, %arg10: memref<80x128xf32, #tpu.memory_space<vmem>>, %arg11: memref<80x128xf32, #tpu.memory_space<vmem>>, %arg12: memref<80x128xf32, #tpu.memory_space<vmem>>, %arg13: memref<80x128xf32, #tpu.memory_space<vmem>>, %arg14: memref<80x128xf32, #tpu.memory_space<vmem>>, %arg15: memref<80x128xf32, #tpu.memory_space<vmem>>, %arg16: memref<80x128xf32, #tpu.memory_space<vmem>>, %arg17: memref<10016xf32, #tpu.memory_space<vmem>>, %arg18: memref<10016xf32, #tpu.memory_space<vmem>>, %arg19: memref<4x16xf32, #tpu.memory_space<vmem>>, %arg20: memref<!tpu.dma_semaphore, #tpu.memory_space<semaphore_mem>>, %arg21: memref<!tpu.dma_semaphore, #tpu.memory_space<semaphore_mem>>, %arg22: memref<!tpu.dma_semaphore, #tpu.memory_space<semaphore_mem>>, %arg23: memref<!tpu.dma_semaphore, #tpu.memory_space<semaphore_mem>>) attributes {dimension_semantics = [#tpu.dimension_semantics<core_parallel>, #tpu.dimension_semantics<subcore_parallel>], iteration_bounds = array<i64: 2, 16>, scalar_prefetch = 0 : i64, scratch_operands = 17 : i64, tpu.core_type = #tpu.core_type<sc_vector_subcore>, window_params = [{transform_indices = #map}, {transform_indices = #map1}, {transform_indices = #map}, {transform_indices = #map1}, {transform_indices = #map1}]} {
    %mul3A = arith.constant 2 : i32
    %mul3A_0 = arith.muli %arg1, %mul3A : i32
    %add3A = arith.addi %mul3A_0, %arg0 : i32
    %mul3A_1 = arith.constant 10000 : i32
    %mul3A_2 = arith.muli %add3A, %mul3A_1 : i32
    "tpu.region"() ({
      %run_scoped3A = tpu.sem_alloc : memref<!tpu.dma_semaphore, #tpu.memory_space<semaphore_mem>>
      tpu.enqueue_dma source(%arg4 : memref<4x16xf32, #tpu.memory_space<hbm>>) target(%arg19 : memref<4x16xf32, #tpu.memory_space<vmem>>) target_semaphore(%run_scoped3A : memref<!tpu.dma_semaphore, #tpu.memory_space<semaphore_mem>>)
      tpu.wait_dma2 semaphore(%run_scoped3A : memref<!tpu.dma_semaphore, #tpu.memory_space<semaphore_mem>>) src(%arg4 : memref<4x16xf32, #tpu.memory_space<hbm>>) dst(%arg19 : memref<4x16xf32, #tpu.memory_space<vmem>>)
      tpu.yield
    }) : () -> ()
    "tpu.region"() ({
      %run_scoped3A = tpu.sem_alloc : memref<!tpu.dma_semaphore, #tpu.memory_space<semaphore_mem>>
      %dma_start3A_102 = tpu.memref_slice %arg3[%mul3A_2] : memref<640000xi32, #tpu.memory_space<hbm>> -> memref<10000xi32, #tpu.memory_space<hbm>>
      %dma_start3A_103 = tpu.memref_slice %arg3[%mul3A_2] : memref<640000xi32, #tpu.memory_space<hbm>> -> memref<10000xi32, #tpu.memory_space<hbm>>
      tpu.enqueue_dma source(%dma_start3A_103 : memref<10000xi32, #tpu.memory_space<hbm>>) target(%arg7 : memref<10000xi32, #tpu.memory_space<vmem>>) target_semaphore(%run_scoped3A : memref<!tpu.dma_semaphore, #tpu.memory_space<semaphore_mem>>)
      %dma_wait3A_104 = tpu.memref_slice %arg3[%mul3A_2] : memref<640000xi32, #tpu.memory_space<hbm>> -> memref<10000xi32, #tpu.memory_space<hbm>>
      %dma_wait3A_105 = tpu.memref_slice %arg3[%mul3A_2] : memref<640000xi32, #tpu.memory_space<hbm>> -> memref<10000xi32, #tpu.memory_space<hbm>>
      tpu.wait_dma2 semaphore(%run_scoped3A : memref<!tpu.dma_semaphore, #tpu.memory_space<semaphore_mem>>) src(%dma_wait3A_105 : memref<10000xi32, #tpu.memory_space<hbm>>) dst(%arg7 : memref<10000xi32, #tpu.memory_space<vmem>>)
      tpu.yield
    }) : () -> ()
    %add3A_3 = arith.constant 320000 : i32
    %add3A_4 = arith.addi %add3A_3, %mul3A_2 : i32
    "tpu.region"() ({
      %run_scoped3A = tpu.sem_alloc : memref<!tpu.dma_semaphore, #tpu.memory_space<semaphore_mem>>
      %dma_start3A_102 = tpu.memref_slice %arg3[%add3A_4] : memref<640000xi32, #tpu.memory_space<hbm>> -> memref<10000xi32, #tpu.memory_space<hbm>>
      %dma_start3A_103 = tpu.memref_slice %arg3[%add3A_4] : memref<640000xi32, #tpu.memory_space<hbm>> -> memref<10000xi32, #tpu.memory_space<hbm>>
      tpu.enqueue_dma source(%dma_start3A_103 : memref<10000xi32, #tpu.memory_space<hbm>>) target(%arg8 : memref<10000xi32, #tpu.memory_space<vmem>>) target_semaphore(%run_scoped3A : memref<!tpu.dma_semaphore, #tpu.memory_space<semaphore_mem>>)
      %dma_wait3A_104 = tpu.memref_slice %arg3[%add3A_4] : memref<640000xi32, #tpu.memory_space<hbm>> -> memref<10000xi32, #tpu.memory_space<hbm>>
      %dma_wait3A_105 = tpu.memref_slice %arg3[%add3A_4] : memref<640000xi32, #tpu.memory_space<hbm>> -> memref<10000xi32, #tpu.memory_space<hbm>>
      tpu.wait_dma2 semaphore(%run_scoped3A : memref<!tpu.dma_semaphore, #tpu.memory_space<semaphore_mem>>) src(%dma_wait3A_105 : memref<10000xi32, #tpu.memory_space<hbm>>) dst(%arg8 : memref<10000xi32, #tpu.memory_space<vmem>>)
      tpu.yield
    }) : () -> ()
    %iota3A = tpu.iota {dimensions = array<i32: 0>} : vector<16xi32>
    %add3A_5 = arith.constant 8 : i32
    %add3A_6 = vector.broadcast %add3A_5 : i32 to vector<16xi32>
    %add3A_7 = arith.addi %iota3A, %add3A_6 : vector<16xi32>
    %and3A = arith.constant 15 : i32
    %and3A_8 = vector.broadcast %and3A : i32 to vector<16xi32>
    %and3A_9 = arith.andi %add3A_7, %and3A_8 : vector<16xi32>
    %add3A_10 = arith.constant 4 : i32
    %add3A_11 = vector.broadcast %add3A_10 : i32 to vector<16xi32>
    %add3A_12 = arith.addi %iota3A, %add3A_11 : vector<16xi32>
    %and3A_13 = arith.constant 15 : i32
    %and3A_14 = vector.broadcast %and3A_13 : i32 to vector<16xi32>
    %and3A_15 = arith.andi %add3A_12, %and3A_14 : vector<16xi32>
    %add3A_16 = arith.constant 2 : i32
    %add3A_17 = vector.broadcast %add3A_16 : i32 to vector<16xi32>
    %add3A_18 = arith.addi %iota3A, %add3A_17 : vector<16xi32>
    %and3A_19 = arith.constant 15 : i32
    %and3A_20 = vector.broadcast %and3A_19 : i32 to vector<16xi32>
    %and3A_21 = arith.andi %add3A_18, %and3A_20 : vector<16xi32>
    %add3A_22 = arith.constant 1 : i32
    %add3A_23 = vector.broadcast %add3A_22 : i32 to vector<16xi32>
    %add3A_24 = arith.addi %iota3A, %add3A_23 : vector<16xi32>
    %and3A_25 = arith.constant 15 : i32
    %and3A_26 = vector.broadcast %and3A_25 : i32 to vector<16xi32>
    %and3A_27 = arith.andi %add3A_24, %and3A_26 : vector<16xi32>
    %get3A = arith.constant 0 : i32
    %get3A_28 = arith.index_cast %get3A : i32 to index
    %get3A_29 = arith.constant 0 : index
    %get3A_30 = tpu.vector_load %arg19[%get3A_28, %get3A_29] {strides = array<i32>} : memref<4x16xf32, #tpu.memory_space<vmem>>, vector<16xf32>,
    %get3A_31 = arith.constant 1 : i32
    %get3A_32 = arith.index_cast %get3A_31 : i32 to index
    %get3A_33 = arith.constant 0 : index
    %get3A_34 = tpu.vector_load %arg19[%get3A_32, %get3A_33] {strides = array<i32>} : memref<4x16xf32, #tpu.memory_space<vmem>>, vector<16xf32>,
    %get3A_35 = arith.constant 2 : i32
    %get3A_36 = arith.index_cast %get3A_35 : i32 to index
    %get3A_37 = arith.constant 0 : index
    %get3A_38 = tpu.vector_load %arg19[%get3A_36, %get3A_37] {strides = array<i32>} : memref<4x16xf32, #tpu.memory_space<vmem>>, vector<16xf32>,
    %get3A_39 = arith.constant 3 : i32
    %get3A_40 = arith.index_cast %get3A_39 : i32 to index
    %get3A_41 = arith.constant 0 : index
    %get3A_42 = tpu.vector_load %arg19[%get3A_40, %get3A_41] {strides = array<i32>} : memref<4x16xf32, #tpu.memory_space<vmem>>, vector<16xf32>,
    %dma_start3A = arith.constant 0 : i32
    %dma_start3A_43 = tpu.memref_slice %arg7[%dma_start3A] : memref<10000xi32, #tpu.memory_space<vmem>> -> memref<80xi32, #tpu.memory_space<vmem>>
    %dma_start3A_44 = arith.constant 0 : i32
    %dma_start3A_45 = arith.constant 0 : i32
    %dma_start3A_46 = tpu.memref_slice %arg2[%dma_start3A_44, %dma_start3A_45] : memref<10000x128xf32, #tpu.memory_space<hbm>> -> memref<10000x128xf32, #tpu.memory_space<hbm>>
    tpu.enqueue_indirect_dma source(%dma_start3A_46 : memref<10000x128xf32, #tpu.memory_space<hbm>>) target(%arg9 : memref<80x128xf32, #tpu.memory_space<vmem>>) offsets(%dma_start3A_43 : memref<80xi32, #tpu.memory_space<vmem>>) semaphore(%arg20 : memref<!tpu.dma_semaphore, #tpu.memory_space<semaphore_mem>>)
    %dma_start3A_47 = arith.constant 0 : i32
    %dma_start3A_48 = tpu.memref_slice %arg8[%dma_start3A_47] : memref<10000xi32, #tpu.memory_space<vmem>> -> memref<80xi32, #tpu.memory_space<vmem>>
    %dma_start3A_49 = arith.constant 0 : i32
    %dma_start3A_50 = arith.constant 0 : i32
    %dma_start3A_51 = tpu.memref_slice %arg2[%dma_start3A_49, %dma_start3A_50] : memref<10000x128xf32, #tpu.memory_space<hbm>> -> memref<10000x128xf32, #tpu.memory_space<hbm>>
    tpu.enqueue_indirect_dma source(%dma_start3A_51 : memref<10000x128xf32, #tpu.memory_space<hbm>>) target(%arg13 : memref<80x128xf32, #tpu.memory_space<vmem>>) offsets(%dma_start3A_48 : memref<80xi32, #tpu.memory_space<vmem>>) semaphore(%arg20 : memref<!tpu.dma_semaphore, #tpu.memory_space<semaphore_mem>>)
    %dma_start3A_52 = arith.constant 80 : i32
    %dma_start3A_53 = tpu.memref_slice %arg7[%dma_start3A_52] : memref<10000xi32, #tpu.memory_space<vmem>> -> memref<80xi32, #tpu.memory_space<vmem>>
    %dma_start3A_54 = arith.constant 0 : i32
    %dma_start3A_55 = arith.constant 0 : i32
    %dma_start3A_56 = tpu.memref_slice %arg2[%dma_start3A_54, %dma_start3A_55] : memref<10000x128xf32, #tpu.memory_space<hbm>> -> memref<10000x128xf32, #tpu.memory_space<hbm>>
    tpu.enqueue_indirect_dma source(%dma_start3A_56 : memref<10000x128xf32, #tpu.memory_space<hbm>>) target(%arg10 : memref<80x128xf32, #tpu.memory_space<vmem>>) offsets(%dma_start3A_53 : memref<80xi32, #tpu.memory_space<vmem>>) semaphore(%arg21 : memref<!tpu.dma_semaphore, #tpu.memory_space<semaphore_mem>>)
    %dma_start3A_57 = arith.constant 80 : i32
    %dma_start3A_58 = tpu.memref_slice %arg8[%dma_start3A_57] : memref<10000xi32, #tpu.memory_space<vmem>> -> memref<80xi32, #tpu.memory_space<vmem>>
    %dma_start3A_59 = arith.constant 0 : i32
    %dma_start3A_60 = arith.constant 0 : i32
    %dma_start3A_61 = tpu.memref_slice %arg2[%dma_start3A_59, %dma_start3A_60] : memref<10000x128xf32, #tpu.memory_space<hbm>> -> memref<10000x128xf32, #tpu.memory_space<hbm>>
    tpu.enqueue_indirect_dma source(%dma_start3A_61 : memref<10000x128xf32, #tpu.memory_space<hbm>>) target(%arg14 : memref<80x128xf32, #tpu.memory_space<vmem>>) offsets(%dma_start3A_58 : memref<80xi32, #tpu.memory_space<vmem>>) semaphore(%arg21 : memref<!tpu.dma_semaphore, #tpu.memory_space<semaphore_mem>>)
    %dma_start3A_62 = arith.constant 160 : i32
    %dma_start3A_63 = tpu.memref_slice %arg7[%dma_start3A_62] : memref<10000xi32, #tpu.memory_space<vmem>> -> memref<80xi32, #tpu.memory_space<vmem>>
    %dma_start3A_64 = arith.constant 0 : i32
    %dma_start3A_65 = arith.constant 0 : i32
    %dma_start3A_66 = tpu.memref_slice %arg2[%dma_start3A_64, %dma_start3A_65] : memref<10000x128xf32, #tpu.memory_space<hbm>> -> memref<10000x128xf32, #tpu.memory_space<hbm>>
    tpu.enqueue_indirect_dma source(%dma_start3A_66 : memref<10000x128xf32, #tpu.memory_space<hbm>>) target(%arg11 : memref<80x128xf32, #tpu.memory_space<vmem>>) offsets(%dma_start3A_63 : memref<80xi32, #tpu.memory_space<vmem>>) semaphore(%arg22 : memref<!tpu.dma_semaphore, #tpu.memory_space<semaphore_mem>>)
    %dma_start3A_67 = arith.constant 160 : i32
    %dma_start3A_68 = tpu.memref_slice %arg8[%dma_start3A_67] : memref<10000xi32, #tpu.memory_space<vmem>> -> memref<80xi32, #tpu.memory_space<vmem>>
    %dma_start3A_69 = arith.constant 0 : i32
    %dma_start3A_70 = arith.constant 0 : i32
    %dma_start3A_71 = tpu.memref_slice %arg2[%dma_start3A_69, %dma_start3A_70] : memref<10000x128xf32, #tpu.memory_space<hbm>> -> memref<10000x128xf32, #tpu.memory_space<hbm>>
    tpu.enqueue_indirect_dma source(%dma_start3A_71 : memref<10000x128xf32, #tpu.memory_space<hbm>>) target(%arg15 : memref<80x128xf32, #tpu.memory_space<vmem>>) offsets(%dma_start3A_68 : memref<80xi32, #tpu.memory_space<vmem>>) semaphore(%arg22 : memref<!tpu.dma_semaphore, #tpu.memory_space<semaphore_mem>>)
    %dma_start3A_72 = arith.constant 240 : i32
    %dma_start3A_73 = tpu.memref_slice %arg7[%dma_start3A_72] : memref<10000xi32, #tpu.memory_space<vmem>> -> memref<80xi32, #tpu.memory_space<vmem>>
    %dma_start3A_74 = arith.constant 0 : i32
    %dma_start3A_75 = arith.constant 0 : i32
    %dma_start3A_76 = tpu.memref_slice %arg2[%dma_start3A_74, %dma_start3A_75] : memref<10000x128xf32, #tpu.memory_space<hbm>> -> memref<10000x128xf32, #tpu.memory_space<hbm>>
    tpu.enqueue_indirect_dma source(%dma_start3A_76 : memref<10000x128xf32, #tpu.memory_space<hbm>>) target(%arg12 : memref<80x128xf32, #tpu.memory_space<vmem>>) offsets(%dma_start3A_73 : memref<80xi32, #tpu.memory_space<vmem>>) semaphore(%arg23 : memref<!tpu.dma_semaphore, #tpu.memory_space<semaphore_mem>>)
    %dma_start3A_77 = arith.constant 240 : i32
    %dma_start3A_78 = tpu.memref_slice %arg8[%dma_start3A_77] : memref<10000xi32, #tpu.memory_space<vmem>> -> memref<80xi32, #tpu.memory_space<vmem>>
    %dma_start3A_79 = arith.constant 0 : i32
    %dma_start3A_80 = arith.constant 0 : i32
    %dma_start3A_81 = tpu.memref_slice %arg2[%dma_start3A_79, %dma_start3A_80] : memref<10000x128xf32, #tpu.memory_space<hbm>> -> memref<10000x128xf32, #tpu.memory_space<hbm>>
    tpu.enqueue_indirect_dma source(%dma_start3A_81 : memref<10000x128xf32, #tpu.memory_space<hbm>>) target(%arg16 : memref<80x128xf32, #tpu.memory_space<vmem>>) offsets(%dma_start3A_78 : memref<80xi32, #tpu.memory_space<vmem>>) semaphore(%arg23 : memref<!tpu.dma_semaphore, #tpu.memory_space<semaphore_mem>>)
    %scan3A = arith.constant 0 : i32
    %scan3A_82 = arith.constant 0 : i32
    %scan3A_83 = arith.constant 31 : i32
    %scan3A_84 = arith.addi %scan3A_82, %scan3A_83 : i32
    %scan3A_85 = arith.constant 1 : i32
    scf.for %scan3A_102 = %scan3A_82 to %scan3A_84 step %scan3A_85  : i32 {
      %mul3A_103 = arith.constant 4 : i32
      %mul3A_104 = arith.muli %mul3A_103, %scan3A_102 : i32
      %add3A_105 = arith.constant 0 : i32
      %add3A_106 = arith.addi %mul3A_104, %add3A_105 : i32
      %mul3A_107 = arith.constant 80 : i32
      %mul3A_108 = arith.muli %add3A_106, %mul3A_107 : i32
      %dma_wait3A_109 = tpu.memref_slice %arg7[%mul3A_108] : memref<10000xi32, #tpu.memory_space<vmem>> -> memref<80xi32, #tpu.memory_space<vmem>>
      %dma_wait3A_110 = arith.constant 0 : i32
      %dma_wait3A_111 = arith.constant 0 : i32
      %dma_wait3A_112 = tpu.memref_slice %arg2[%dma_wait3A_110, %dma_wait3A_111] : memref<10000x128xf32, #tpu.memory_space<hbm>> -> memref<10000x128xf32, #tpu.memory_space<hbm>>
      tpu.wait_indirect_dma semaphore(%arg20 : memref<!tpu.dma_semaphore, #tpu.memory_space<semaphore_mem>>) src(%dma_wait3A_112 : memref<10000x128xf32, #tpu.memory_space<hbm>>) dst(%arg9 : memref<80x128xf32, #tpu.memory_space<vmem>>)
      %dma_wait3A_113 = tpu.memref_slice %arg8[%mul3A_108] : memref<10000xi32, #tpu.memory_space<vmem>> -> memref<80xi32, #tpu.memory_space<vmem>>
      %dma_wait3A_114 = arith.constant 0 : i32
      %dma_wait3A_115 = arith.constant 0 : i32
      %dma_wait3A_116 = tpu.memref_slice %arg2[%dma_wait3A_114, %dma_wait3A_115] : memref<10000x128xf32, #tpu.memory_space<hbm>> -> memref<10000x128xf32, #tpu.memory_space<hbm>>
      tpu.wait_indirect_dma semaphore(%arg20 : memref<!tpu.dma_semaphore, #tpu.memory_space<semaphore_mem>>) src(%dma_wait3A_116 : memref<10000x128xf32, #tpu.memory_space<hbm>>) dst(%arg13 : memref<80x128xf32, #tpu.memory_space<vmem>>)
      %mul3A_117 = arith.constant 80 : i32
      %mul3A_118 = arith.muli %add3A_106, %mul3A_117 : i32
      %scan3A_119 = arith.constant 0 : i32
      %scan3A_120 = arith.constant 0 : i32
      %scan3A_121 = arith.constant 5 : i32
      %scan3A_122 = arith.addi %scan3A_120, %scan3A_121 : i32
      %scan3A_123 = arith.constant 1 : i32
      scf.for %scan3A_216 = %scan3A_120 to %scan3A_122 step %scan3A_123  : i32 {
        %mul3A_217 = arith.constant 16 : i32
        %mul3A_218 = arith.muli %scan3A_216, %mul3A_217 : i32
        %broadcast_in_dim3A = arith.constant 0.000000e+00 : f32
        %broadcast_in_dim3A_219 = vector.broadcast %broadcast_in_dim3A : f32 to vector<16xf32>
        %scan3A_220 = arith.constant 0 : i32
        %scan3A_221 = arith.constant 8 : i32
        %scan3A_222 = arith.addi %scan3A_220, %scan3A_221 : i32
        %scan3A_223 = arith.constant 1 : i32
        %scan3A_224 = scf.for %scan3A_235 = %scan3A_220 to %scan3A_222 step %scan3A_223 iter_args(%scan3A_236 = %broadcast_in_dim3A_219) -> (vector<16xf32>)  : i32 {
          %mul3A_237 = arith.constant 2 : i32
          %mul3A_238 = arith.muli %scan3A_235, %mul3A_237 : i32
          %add3A_239 = arith.constant 0 : i32
          %add3A_240 = arith.addi %mul3A_238, %add3A_239 : i32
          %add3A_241 = arith.addi %mul3A_218, %add3A_240 : i32
          %get3A_242 = arith.index_cast %add3A_241 : i32 to index
          %get3A_243 = arith.constant 0 : index
          %get3A_244 = tpu.vector_load %arg9[%get3A_242, %get3A_243] {strides = array<i32>} : memref<80x128xf32, #tpu.memory_space<vmem>>, vector<16xf32>,
          %get3A_245 = arith.index_cast %add3A_241 : i32 to index
          %get3A_246 = arith.constant 0 : index
          %get3A_247 = tpu.vector_load %arg13[%get3A_245, %get3A_246] {strides = array<i32>} : memref<80x128xf32, #tpu.memory_space<vmem>>, vector<16xf32>,
          %mul3A_248 = arith.mulf %get3A_244, %get3A_247 : vector<16xf32>
          %get3A_249 = arith.index_cast %add3A_241 : i32 to index
          %get3A_250 = arith.constant 16 : index
          %get3A_251 = tpu.vector_load %arg9[%get3A_249, %get3A_250] {strides = array<i32>} : memref<80x128xf32, #tpu.memory_space<vmem>>, vector<16xf32>,
          %get3A_252 = arith.index_cast %add3A_241 : i32 to index
          %get3A_253 = arith.constant 16 : index
          %get3A_254 = tpu.vector_load %arg13[%get3A_252, %get3A_253] {strides = array<i32>} : memref<80x128xf32, #tpu.memory_space<vmem>>, vector<16xf32>,
          %mul3A_255 = arith.mulf %get3A_251, %get3A_254 : vector<16xf32>
          %get3A_256 = arith.index_cast %add3A_241 : i32 to index
          %get3A_257 = arith.constant 32 : index
          %get3A_258 = tpu.vector_load %arg9[%get3A_256, %get3A_257] {strides = array<i32>} : memref<80x128xf32, #tpu.memory_space<vmem>>, vector<16xf32>,
          %get3A_259 = arith.index_cast %add3A_241 : i32 to index
          %get3A_260 = arith.constant 32 : index
          %get3A_261 = tpu.vector_load %arg13[%get3A_259, %get3A_260] {strides = array<i32>} : memref<80x128xf32, #tpu.memory_space<vmem>>, vector<16xf32>,
          %mul3A_262 = arith.mulf %get3A_258, %get3A_261 : vector<16xf32>
          %add3A_263 = arith.addf %mul3A_248, %mul3A_262 : vector<16xf32>
          %get3A_264 = arith.index_cast %add3A_241 : i32 to index
          %get3A_265 = arith.constant 48 : index
          %get3A_266 = tpu.vector_load %arg9[%get3A_264, %get3A_265] {strides = array<i32>} : memref<80x128xf32, #tpu.memory_space<vmem>>, vector<16xf32>,
          %get3A_267 = arith.index_cast %add3A_241 : i32 to index
          %get3A_268 = arith.constant 48 : index
          %get3A_269 = tpu.vector_load %arg13[%get3A_267, %get3A_268] {strides = array<i32>} : memref<80x128xf32, #tpu.memory_space<vmem>>, vector<16xf32>,
          %mul3A_270 = arith.mulf %get3A_266, %get3A_269 : vector<16xf32>
          %add3A_271 = arith.addf %mul3A_255, %mul3A_270 : vector<16xf32>
          %get3A_272 = arith.index_cast %add3A_241 : i32 to index
          %get3A_273 = arith.constant 64 : index
          %get3A_274 = tpu.vector_load %arg9[%get3A_272, %get3A_273] {strides = array<i32>} : memref<80x128xf32, #tpu.memory_space<vmem>>, vector<16xf32>,
          %get3A_275 = arith.index_cast %add3A_241 : i32 to index
          %get3A_276 = arith.constant 64 : index
          %get3A_277 = tpu.vector_load %arg13[%get3A_275, %get3A_276] {strides = array<i32>} : memref<80x128xf32, #tpu.memory_space<vmem>>, vector<16xf32>,
          %mul3A_278 = arith.mulf %get3A_274, %get3A_277 : vector<16xf32>
          %add3A_279 = arith.addf %add3A_263, %mul3A_278 : vector<16xf32>
          %get3A_280 = arith.index_cast %add3A_241 : i32 to index
          %get3A_281 = arith.constant 80 : index
          %get3A_282 = tpu.vector_load %arg9[%get3A_280, %get3A_281] {strides = array<i32>} : memref<80x128xf32, #tpu.memory_space<vmem>>, vector<16xf32>,
          %get3A_283 = arith.index_cast %add3A_241 : i32 to index
          %get3A_284 = arith.constant 80 : index
          %get3A_285 = tpu.vector_load %arg13[%get3A_283, %get3A_284] {strides = array<i32>} : memref<80x128xf32, #tpu.memory_space<vmem>>, vector<16xf32>,
          %mul3A_286 = arith.mulf %get3A_282, %get3A_285 : vector<16xf32>
          %add3A_287 = arith.addf %add3A_271, %mul3A_286 : vector<16xf32>
          %get3A_288 = arith.index_cast %add3A_241 : i32 to index
          %get3A_289 = arith.constant 96 : index
          %get3A_290 = tpu.vector_load %arg9[%get3A_288, %get3A_289] {strides = array<i32>} : memref<80x128xf32, #tpu.memory_space<vmem>>, vector<16xf32>,
          %get3A_291 = arith.index_cast %add3A_241 : i32 to index
          %get3A_292 = arith.constant 96 : index
          %get3A_293 = tpu.vector_load %arg13[%get3A_291, %get3A_292] {strides = array<i32>} : memref<80x128xf32, #tpu.memory_space<vmem>>, vector<16xf32>,
          %mul3A_294 = arith.mulf %get3A_290, %get3A_293 : vector<16xf32>
          %add3A_295 = arith.addf %add3A_279, %mul3A_294 : vector<16xf32>
          %get3A_296 = arith.index_cast %add3A_241 : i32 to index
          %get3A_297 = arith.constant 112 : index
          %get3A_298 = tpu.vector_load %arg9[%get3A_296, %get3A_297] {strides = array<i32>} : memref<80x128xf32, #tpu.memory_space<vmem>>, vector<16xf32>,
          %get3A_299 = arith.index_cast %add3A_241 : i32 to index
          %get3A_300 = arith.constant 112 : index
          %get3A_301 = tpu.vector_load %arg13[%get3A_299, %get3A_300] {strides = array<i32>} : memref<80x128xf32, #tpu.memory_space<vmem>>, vector<16xf32>,
          %mul3A_302 = arith.mulf %get3A_298, %get3A_301 : vector<16xf32>
          %add3A_303 = arith.addf %add3A_287, %mul3A_302 : vector<16xf32>
          %add3A_304 = arith.addf %add3A_295, %add3A_303 : vector<16xf32>
          %broadcast_in_dim3A_305 = vector.shape_cast %and3A_9 : vector<16xi32> to vector<16x1xi32>
          %gather3A = vector.shape_cast %broadcast_in_dim3A_305 : vector<16x1xi32> to vector<16xi32>
          %gather3A_306 = tpu.dynamic_gather %add3A_304[%gather3A] in [0] : vector<16xf32>, vector<16xi32> -> vector<16xf32>
          %add3A_307 = arith.addf %add3A_304, %gather3A_306 : vector<16xf32>
          %broadcast_in_dim3A_308 = vector.shape_cast %and3A_15 : vector<16xi32> to vector<16x1xi32>
          %gather3A_309 = vector.shape_cast %broadcast_in_dim3A_308 : vector<16x1xi32> to vector<16xi32>
          %gather3A_310 = tpu.dynamic_gather %add3A_307[%gather3A_309] in [0] : vector<16xf32>, vector<16xi32> -> vector<16xf32>
          %add3A_311 = arith.addf %add3A_307, %gather3A_310 : vector<16xf32>
          %broadcast_in_dim3A_312 = vector.shape_cast %and3A_21 : vector<16xi32> to vector<16x1xi32>
          %gather3A_313 = vector.shape_cast %broadcast_in_dim3A_312 : vector<16x1xi32> to vector<16xi32>
          %gather3A_314 = tpu.dynamic_gather %add3A_311[%gather3A_313] in [0] : vector<16xf32>, vector<16xi32> -> vector<16xf32>
          %add3A_315 = arith.addf %add3A_311, %gather3A_314 : vector<16xf32>
          %broadcast_in_dim3A_316 = vector.shape_cast %and3A_27 : vector<16xi32> to vector<16x1xi32>
          %gather3A_317 = vector.shape_cast %broadcast_in_dim3A_316 : vector<16x1xi32> to vector<16xi32>
          %gather3A_318 = tpu.dynamic_gather %add3A_315[%gather3A_317] in [0] : vector<16xf32>, vector<16xi32> -> vector<16xf32>
          %add3A_319 = arith.addf %add3A_315, %gather3A_318 : vector<16xf32>
          %eq3A = vector.broadcast %add3A_240 : i32 to vector<16xi32>
          %eq3A_320 = arith.cmpi eq, %iota3A, %eq3A : vector<16xi32>
          %select_n3A = arith.select %eq3A_320, %add3A_319, %scan3A_236 : vector<16xi1>, vector<16xf32>
          %mul3A_321 = arith.constant 2 : i32
          %mul3A_322 = arith.muli %scan3A_235, %mul3A_321 : i32
          %add3A_323 = arith.constant 1 : i32
          %add3A_324 = arith.addi %mul3A_322, %add3A_323 : i32
          %add3A_325 = arith.addi %mul3A_218, %add3A_324 : i32
          %get3A_326 = arith.index_cast %add3A_325 : i32 to index
          %get3A_327 = arith.constant 0 : index
          %get3A_328 = tpu.vector_load %arg9[%get3A_326, %get3A_327] {strides = array<i32>} : memref<80x128xf32, #tpu.memory_space<vmem>>, vector<16xf32>,
          %get3A_329 = arith.index_cast %add3A_325 : i32 to index
          %get3A_330 = arith.constant 0 : index
          %get3A_331 = tpu.vector_load %arg13[%get3A_329, %get3A_330] {strides = array<i32>} : memref<80x128xf32, #tpu.memory_space<vmem>>, vector<16xf32>,
          %mul3A_332 = arith.mulf %get3A_328, %get3A_331 : vector<16xf32>
          %get3A_333 = arith.index_cast %add3A_325 : i32 to index
          %get3A_334 = arith.constant 16 : index
          %get3A_335 = tpu.vector_load %arg9[%get3A_333, %get3A_334] {strides = array<i32>} : memref<80x128xf32, #tpu.memory_space<vmem>>, vector<16xf32>,
          %get3A_336 = arith.index_cast %add3A_325 : i32 to index
          %get3A_337 = arith.constant 16 : index
          %get3A_338 = tpu.vector_load %arg13[%get3A_336, %get3A_337] {strides = array<i32>} : memref<80x128xf32, #tpu.memory_space<vmem>>, vector<16xf32>,
          %mul3A_339 = arith.mulf %get3A_335, %get3A_338 : vector<16xf32>
          %get3A_340 = arith.index_cast %add3A_325 : i32 to index
          %get3A_341 = arith.constant 32 : index
          %get3A_342 = tpu.vector_load %arg9[%get3A_340, %get3A_341] {strides = array<i32>} : memref<80x128xf32, #tpu.memory_space<vmem>>, vector<16xf32>,
          %get3A_343 = arith.index_cast %add3A_325 : i32 to index
          %get3A_344 = arith.constant 32 : index
          %get3A_345 = tpu.vector_load %arg13[%get3A_343, %get3A_344] {strides = array<i32>} : memref<80x128xf32, #tpu.memory_space<vmem>>, vector<16xf32>,
          %mul3A_346 = arith.mulf %get3A_342, %get3A_345 : vector<16xf32>
          %add3A_347 = arith.addf %mul3A_332, %mul3A_346 : vector<16xf32>
          %get3A_348 = arith.index_cast %add3A_325 : i32 to index
          %get3A_349 = arith.constant 48 : index
          %get3A_350 = tpu.vector_load %arg9[%get3A_348, %get3A_349] {strides = array<i32>} : memref<80x128xf32, #tpu.memory_space<vmem>>, vector<16xf32>,
          %get3A_351 = arith.index_cast %add3A_325 : i32 to index
          %get3A_352 = arith.constant 48 : index
          %get3A_353 = tpu.vector_load %arg13[%get3A_351, %get3A_352] {strides = array<i32>} : memref<80x128xf32, #tpu.memory_space<vmem>>, vector<16xf32>,
          %mul3A_354 = arith.mulf %get3A_350, %get3A_353 : vector<16xf32>
          %add3A_355 = arith.addf %mul3A_339, %mul3A_354 : vector<16xf32>
          %get3A_356 = arith.index_cast %add3A_325 : i32 to index
          %get3A_357 = arith.constant 64 : index
          %get3A_358 = tpu.vector_load %arg9[%get3A_356, %get3A_357] {strides = array<i32>} : memref<80x128xf32, #tpu.memory_space<vmem>>, vector<16xf32>,
          %get3A_359 = arith.index_cast %add3A_325 : i32 to index
          %get3A_360 = arith.constant 64 : index
          %get3A_361 = tpu.vector_load %arg13[%get3A_359, %get3A_360] {strides = array<i32>} : memref<80x128xf32, #tpu.memory_space<vmem>>, vector<16xf32>,
          %mul3A_362 = arith.mulf %get3A_358, %get3A_361 : vector<16xf32>
          %add3A_363 = arith.addf %add3A_347, %mul3A_362 : vector<16xf32>
          %get3A_364 = arith.index_cast %add3A_325 : i32 to index
          %get3A_365 = arith.constant 80 : index
          %get3A_366 = tpu.vector_load %arg9[%get3A_364, %get3A_365] {strides = array<i32>} : memref<80x128xf32, #tpu.memory_space<vmem>>, vector<16xf32>,
          %get3A_367 = arith.index_cast %add3A_325 : i32 to index
          %get3A_368 = arith.constant 80 : index
          %get3A_369 = tpu.vector_load %arg13[%get3A_367, %get3A_368] {strides = array<i32>} : memref<80x128xf32, #tpu.memory_space<vmem>>, vector<16xf32>,
          %mul3A_370 = arith.mulf %get3A_366, %get3A_369 : vector<16xf32>
          %add3A_371 = arith.addf %add3A_355, %mul3A_370 : vector<16xf32>
          %get3A_372 = arith.index_cast %add3A_325 : i32 to index
          %get3A_373 = arith.constant 96 : index
          %get3A_374 = tpu.vector_load %arg9[%get3A_372, %get3A_373] {strides = array<i32>} : memref<80x128xf32, #tpu.memory_space<vmem>>, vector<16xf32>,
          %get3A_375 = arith.index_cast %add3A_325 : i32 to index
          %get3A_376 = arith.constant 96 : index
          %get3A_377 = tpu.vector_load %arg13[%get3A_375, %get3A_376] {strides = array<i32>} : memref<80x128xf32, #tpu.memory_space<vmem>>, vector<16xf32>,
          %mul3A_378 = arith.mulf %get3A_374, %get3A_377 : vector<16xf32>
          %add3A_379 = arith.addf %add3A_363, %mul3A_378 : vector<16xf32>
          %get3A_380 = arith.index_cast %add3A_325 : i32 to index
          %get3A_381 = arith.constant 112 : index
          %get3A_382 = tpu.vector_load %arg9[%get3A_380, %get3A_381] {strides = array<i32>} : memref<80x128xf32, #tpu.memory_space<vmem>>, vector<16xf32>,
          %get3A_383 = arith.index_cast %add3A_325 : i32 to index
          %get3A_384 = arith.constant 112 : index
          %get3A_385 = tpu.vector_load %arg13[%get3A_383, %get3A_384] {strides = array<i32>} : memref<80x128xf32, #tpu.memory_space<vmem>>, vector<16xf32>,
          %mul3A_386 = arith.mulf %get3A_382, %get3A_385 : vector<16xf32>
          %add3A_387 = arith.addf %add3A_371, %mul3A_386 : vector<16xf32>
          %add3A_388 = arith.addf %add3A_379, %add3A_387 : vector<16xf32>
          %broadcast_in_dim3A_389 = vector.shape_cast %and3A_9 : vector<16xi32> to vector<16x1xi32>
          %gather3A_390 = vector.shape_cast %broadcast_in_dim3A_389 : vector<16x1xi32> to vector<16xi32>
          %gather3A_391 = tpu.dynamic_gather %add3A_388[%gather3A_390] in [0] : vector<16xf32>, vector<16xi32> -> vector<16xf32>
          %add3A_392 = arith.addf %add3A_388, %gather3A_391 : vector<16xf32>
          %broadcast_in_dim3A_393 = vector.shape_cast %and3A_15 : vector<16xi32> to vector<16x1xi32>
          %gather3A_394 = vector.shape_cast %broadcast_in_dim3A_393 : vector<16x1xi32> to vector<16xi32>
          %gather3A_395 = tpu.dynamic_gather %add3A_392[%gather3A_394] in [0] : vector<16xf32>, vector<16xi32> -> vector<16xf32>
          %add3A_396 = arith.addf %add3A_392, %gather3A_395 : vector<16xf32>
          %broadcast_in_dim3A_397 = vector.shape_cast %and3A_21 : vector<16xi32> to vector<16x1xi32>
          %gather3A_398 = vector.shape_cast %broadcast_in_dim3A_397 : vector<16x1xi32> to vector<16xi32>
          %gather3A_399 = tpu.dynamic_gather %add3A_396[%gather3A_398] in [0] : vector<16xf32>, vector<16xi32> -> vector<16xf32>
          %add3A_400 = arith.addf %add3A_396, %gather3A_399 : vector<16xf32>
          %broadcast_in_dim3A_401 = vector.shape_cast %and3A_27 : vector<16xi32> to vector<16x1xi32>
          %gather3A_402 = vector.shape_cast %broadcast_in_dim3A_401 : vector<16x1xi32> to vector<16xi32>
          %gather3A_403 = tpu.dynamic_gather %add3A_400[%gather3A_402] in [0] : vector<16xf32>, vector<16xi32> -> vector<16xf32>
          %add3A_404 = arith.addf %add3A_400, %gather3A_403 : vector<16xf32>
          %eq3A_405 = vector.broadcast %add3A_324 : i32 to vector<16xi32>
          %eq3A_406 = arith.cmpi eq, %iota3A, %eq3A_405 : vector<16xi32>
          %select_n3A_407 = arith.select %eq3A_406, %add3A_404, %select_n3A : vector<16xi1>, vector<16xf32>
          scf.yield %select_n3A_407 : vector<16xf32>
        }
        %scan3A_225 = arith.constant 8 : i32
        %mul3A_226 = arith.mulf %scan3A_224, %get3A_30 : vector<16xf32>
        %add3A_227 = arith.addf %mul3A_226, %get3A_38 : vector<16xf32>
        %add3A_228 = arith.addi %mul3A_118, %mul3A_218 : i32
        %swap3A = arith.index_cast %add3A_228 : i32 to index
        %swap3A_229 = tpu.vector_load %arg17[%swap3A] {strides = array<i32>} : memref<10016xf32, #tpu.memory_space<vmem>>, vector<16xf32>,
        tpu.vector_store %arg17[%swap3A], %add3A_227 {strides = array<i32>} : memref<10016xf32, #tpu.memory_space<vmem>>, vector<16xf32>,
        %mul3A_230 = arith.mulf %scan3A_224, %get3A_34 : vector<16xf32>
        %add3A_231 = arith.addf %mul3A_230, %get3A_42 : vector<16xf32>
        %add3A_232 = arith.addi %mul3A_118, %mul3A_218 : i32
        %swap3A_233 = arith.index_cast %add3A_232 : i32 to index
        %swap3A_234 = tpu.vector_load %arg18[%swap3A_233] {strides = array<i32>} : memref<10016xf32, #tpu.memory_space<vmem>>, vector<16xf32>,
        tpu.vector_store %arg18[%swap3A_233], %add3A_231 {strides = array<i32>} : memref<10016xf32, #tpu.memory_space<vmem>>, vector<16xf32>,
      }
      %scan3A_124 = arith.constant 5 : i32
      %add3A_125 = arith.constant 4 : i32
      %add3A_126 = arith.addi %add3A_106, %add3A_125 : i32
      %lt3A = arith.constant 125 : i32
      %lt3A_127 = arith.cmpi slt, %add3A_126, %lt3A : i32
      %convert_element_type3A = arith.extui %lt3A_127 : i1 to i32
      %cond3A = arith.constant 0 : i32
      %cond3A_128 = arith.cmpi ne, %convert_element_type3A, %cond3A : i32
      scf.if %cond3A_128 {
        %add3A_216 = arith.constant 4 : i32
        %add3A_217 = arith.addi %add3A_106, %add3A_216 : i32
        %mul3A_218 = arith.constant 80 : i32
        %mul3A_219 = arith.muli %add3A_217, %mul3A_218 : i32
        %dma_start3A_220 = tpu.memref_slice %arg7[%mul3A_219] : memref<10000xi32, #tpu.memory_space<vmem>> -> memref<80xi32, #tpu.memory_space<vmem>>
        %dma_start3A_221 = arith.constant 0 : i32
        %dma_start3A_222 = arith.constant 0 : i32
        %dma_start3A_223 = tpu.memref_slice %arg2[%dma_start3A_221, %dma_start3A_222] : memref<10000x128xf32, #tpu.memory_space<hbm>> -> memref<10000x128xf32, #tpu.memory_space<hbm>>
        tpu.enqueue_indirect_dma source(%dma_start3A_223 : memref<10000x128xf32, #tpu.memory_space<hbm>>) target(%arg9 : memref<80x128xf32, #tpu.memory_space<vmem>>) offsets(%dma_start3A_220 : memref<80xi32, #tpu.memory_space<vmem>>) semaphore(%arg20 : memref<!tpu.dma_semaphore, #tpu.memory_space<semaphore_mem>>)
        %dma_start3A_224 = tpu.memref_slice %arg8[%mul3A_219] : memref<10000xi32, #tpu.memory_space<vmem>> -> memref<80xi32, #tpu.memory_space<vmem>>
        %dma_start3A_225 = arith.constant 0 : i32
        %dma_start3A_226 = arith.constant 0 : i32
        %dma_start3A_227 = tpu.memref_slice %arg2[%dma_start3A_225, %dma_start3A_226] : memref<10000x128xf32, #tpu.memory_space<hbm>> -> memref<10000x128xf32, #tpu.memory_space<hbm>>
        tpu.enqueue_indirect_dma source(%dma_start3A_227 : memref<10000x128xf32, #tpu.memory_space<hbm>>) target(%arg13 : memref<80x128xf32, #tpu.memory_space<vmem>>) offsets(%dma_start3A_224 : memref<80xi32, #tpu.memory_space<vmem>>) semaphore(%arg20 : memref<!tpu.dma_semaphore, #tpu.memory_space<semaphore_mem>>)
      } else {
      }
      %mul3A_129 = arith.constant 4 : i32
      %mul3A_130 = arith.muli %mul3A_129, %scan3A_102 : i32
      %add3A_131 = arith.constant 1 : i32
      %add3A_132 = arith.addi %mul3A_130, %add3A_131 : i32
      %mul3A_133 = arith.constant 80 : i32
      %mul3A_134 = arith.muli %add3A_132, %mul3A_133 : i32
      %dma_wait3A_135 = tpu.memref_slice %arg7[%mul3A_134] : memref<10000xi32, #tpu.memory_space<vmem>> -> memref<80xi32, #tpu.memory_space<vmem>>
      %dma_wait3A_136 = arith.constant 0 : i32
      %dma_wait3A_137 = arith.constant 0 : i32
      %dma_wait3A_138 = tpu.memref_slice %arg2[%dma_wait3A_136, %dma_wait3A_137] : memref<10000x128xf32, #tpu.memory_space<hbm>> -> memref<10000x128xf32, #tpu.memory_space<hbm>>
      tpu.wait_indirect_dma semaphore(%arg21 : memref<!tpu.dma_semaphore, #tpu.memory_space<semaphore_mem>>) src(%dma_wait3A_138 : memref<10000x128xf32, #tpu.memory_space<hbm>>) dst(%arg10 : memref<80x128xf32, #tpu.memory_space<vmem>>)
      %dma_wait3A_139 = tpu.memref_slice %arg8[%mul3A_134] : memref<10000xi32, #tpu.memory_space<vmem>> -> memref<80xi32, #tpu.memory_space<vmem>>
      %dma_wait3A_140 = arith.constant 0 : i32
      %dma_wait3A_141 = arith.constant 0 : i32
      %dma_wait3A_142 = tpu.memref_slice %arg2[%dma_wait3A_140, %dma_wait3A_141] : memref<10000x128xf32, #tpu.memory_space<hbm>> -> memref<10000x128xf32, #tpu.memory_space<hbm>>
      tpu.wait_indirect_dma semaphore(%arg21 : memref<!tpu.dma_semaphore, #tpu.memory_space<semaphore_mem>>) src(%dma_wait3A_142 : memref<10000x128xf32, #tpu.memory_space<hbm>>) dst(%arg14 : memref<80x128xf32, #tpu.memory_space<vmem>>)
      %mul3A_143 = arith.constant 80 : i32
      %mul3A_144 = arith.muli %add3A_132, %mul3A_143 : i32
      %scan3A_145 = arith.constant 0 : i32
      %scan3A_146 = arith.constant 0 : i32
      %scan3A_147 = arith.constant 5 : i32
      %scan3A_148 = arith.addi %scan3A_146, %scan3A_147 : i32
      %scan3A_149 = arith.constant 1 : i32
      scf.for %scan3A_216 = %scan3A_146 to %scan3A_148 step %scan3A_149  : i32 {
        %mul3A_217 = arith.constant 16 : i32
        %mul3A_218 = arith.muli %scan3A_216, %mul3A_217 : i32
        %broadcast_in_dim3A = arith.constant 0.000000e+00 : f32
        %broadcast_in_dim3A_219 = vector.broadcast %broadcast_in_dim3A : f32 to vector<16xf32>
        %scan3A_220 = arith.constant 0 : i32
        %scan3A_221 = arith.constant 8 : i32
        %scan3A_222 = arith.addi %scan3A_220, %scan3A_221 : i32
        %scan3A_223 = arith.constant 1 : i32
        %scan3A_224 = scf.for %scan3A_235 = %scan3A_220 to %scan3A_222 step %scan3A_223 iter_args(%scan3A_236 = %broadcast_in_dim3A_219) -> (vector<16xf32>)  : i32 {
          %mul3A_237 = arith.constant 2 : i32
          %mul3A_238 = arith.muli %scan3A_235, %mul3A_237 : i32
          %add3A_239 = arith.constant 0 : i32
          %add3A_240 = arith.addi %mul3A_238, %add3A_239 : i32
          %add3A_241 = arith.addi %mul3A_218, %add3A_240 : i32
          %get3A_242 = arith.index_cast %add3A_241 : i32 to index
          %get3A_243 = arith.constant 0 : index
          %get3A_244 = tpu.vector_load %arg10[%get3A_242, %get3A_243] {strides = array<i32>} : memref<80x128xf32, #tpu.memory_space<vmem>>, vector<16xf32>,
          %get3A_245 = arith.index_cast %add3A_241 : i32 to index
          %get3A_246 = arith.constant 0 : index
          %get3A_247 = tpu.vector_load %arg14[%get3A_245, %get3A_246] {strides = array<i32>} : memref<80x128xf32, #tpu.memory_space<vmem>>, vector<16xf32>,
          %mul3A_248 = arith.mulf %get3A_244, %get3A_247 : vector<16xf32>
          %get3A_249 = arith.index_cast %add3A_241 : i32 to index
          %get3A_250 = arith.constant 16 : index
          %get3A_251 = tpu.vector_load %arg10[%get3A_249, %get3A_250] {strides = array<i32>} : memref<80x128xf32, #tpu.memory_space<vmem>>, vector<16xf32>,
          %get3A_252 = arith.index_cast %add3A_241 : i32 to index
          %get3A_253 = arith.constant 16 : index
          %get3A_254 = tpu.vector_load %arg14[%get3A_252, %get3A_253] {strides = array<i32>} : memref<80x128xf32, #tpu.memory_space<vmem>>, vector<16xf32>,
          %mul3A_255 = arith.mulf %get3A_251, %get3A_254 : vector<16xf32>
          %get3A_256 = arith.index_cast %add3A_241 : i32 to index
          %get3A_257 = arith.constant 32 : index
          %get3A_258 = tpu.vector_load %arg10[%get3A_256, %get3A_257] {strides = array<i32>} : memref<80x128xf32, #tpu.memory_space<vmem>>, vector<16xf32>,
          %get3A_259 = arith.index_cast %add3A_241 : i32 to index
          %get3A_260 = arith.constant 32 : index
          %get3A_261 = tpu.vector_load %arg14[%get3A_259, %get3A_260] {strides = array<i32>} : memref<80x128xf32, #tpu.memory_space<vmem>>, vector<16xf32>,
          %mul3A_262 = arith.mulf %get3A_258, %get3A_261 : vector<16xf32>
          %add3A_263 = arith.addf %mul3A_248, %mul3A_262 : vector<16xf32>
          %get3A_264 = arith.index_cast %add3A_241 : i32 to index
          %get3A_265 = arith.constant 48 : index
          %get3A_266 = tpu.vector_load %arg10[%get3A_264, %get3A_265] {strides = array<i32>} : memref<80x128xf32, #tpu.memory_space<vmem>>, vector<16xf32>,
          %get3A_267 = arith.index_cast %add3A_241 : i32 to index
          %get3A_268 = arith.constant 48 : index
          %get3A_269 = tpu.vector_load %arg14[%get3A_267, %get3A_268] {strides = array<i32>} : memref<80x128xf32, #tpu.memory_space<vmem>>, vector<16xf32>,
          %mul3A_270 = arith.mulf %get3A_266, %get3A_269 : vector<16xf32>
          %add3A_271 = arith.addf %mul3A_255, %mul3A_270 : vector<16xf32>
          %get3A_272 = arith.index_cast %add3A_241 : i32 to index
          %get3A_273 = arith.constant 64 : index
          %get3A_274 = tpu.vector_load %arg10[%get3A_272, %get3A_273] {strides = array<i32>} : memref<80x128xf32, #tpu.memory_space<vmem>>, vector<16xf32>,
          %get3A_275 = arith.index_cast %add3A_241 : i32 to index
          %get3A_276 = arith.constant 64 : index
          %get3A_277 = tpu.vector_load %arg14[%get3A_275, %get3A_276] {strides = array<i32>} : memref<80x128xf32, #tpu.memory_space<vmem>>, vector<16xf32>,
          %mul3A_278 = arith.mulf %get3A_274, %get3A_277 : vector<16xf32>
          %add3A_279 = arith.addf %add3A_263, %mul3A_278 : vector<16xf32>
          %get3A_280 = arith.index_cast %add3A_241 : i32 to index
          %get3A_281 = arith.constant 80 : index
          %get3A_282 = tpu.vector_load %arg10[%get3A_280, %get3A_281] {strides = array<i32>} : memref<80x128xf32, #tpu.memory_space<vmem>>, vector<16xf32>,
          %get3A_283 = arith.index_cast %add3A_241 : i32 to index
          %get3A_284 = arith.constant 80 : index
          %get3A_285 = tpu.vector_load %arg14[%get3A_283, %get3A_284] {strides = array<i32>} : memref<80x128xf32, #tpu.memory_space<vmem>>, vector<16xf32>,
          %mul3A_286 = arith.mulf %get3A_282, %get3A_285 : vector<16xf32>
          %add3A_287 = arith.addf %add3A_271, %mul3A_286 : vector<16xf32>
          %get3A_288 = arith.index_cast %add3A_241 : i32 to index
          %get3A_289 = arith.constant 96 : index
          %get3A_290 = tpu.vector_load %arg10[%get3A_288, %get3A_289] {strides = array<i32>} : memref<80x128xf32, #tpu.memory_space<vmem>>, vector<16xf32>,
          %get3A_291 = arith.index_cast %add3A_241 : i32 to index
          %get3A_292 = arith.constant 96 : index
          %get3A_293 = tpu.vector_load %arg14[%get3A_291, %get3A_292] {strides = array<i32>} : memref<80x128xf32, #tpu.memory_space<vmem>>, vector<16xf32>,
          %mul3A_294 = arith.mulf %get3A_290, %get3A_293 : vector<16xf32>
          %add3A_295 = arith.addf %add3A_279, %mul3A_294 : vector<16xf32>
          %get3A_296 = arith.index_cast %add3A_241 : i32 to index
          %get3A_297 = arith.constant 112 : index
          %get3A_298 = tpu.vector_load %arg10[%get3A_296, %get3A_297] {strides = array<i32>} : memref<80x128xf32, #tpu.memory_space<vmem>>, vector<16xf32>,
          %get3A_299 = arith.index_cast %add3A_241 : i32 to index
          %get3A_300 = arith.constant 112 : index
          %get3A_301 = tpu.vector_load %arg14[%get3A_299, %get3A_300] {strides = array<i32>} : memref<80x128xf32, #tpu.memory_space<vmem>>, vector<16xf32>,
          %mul3A_302 = arith.mulf %get3A_298, %get3A_301 : vector<16xf32>
          %add3A_303 = arith.addf %add3A_287, %mul3A_302 : vector<16xf32>
          %add3A_304 = arith.addf %add3A_295, %add3A_303 : vector<16xf32>
          %broadcast_in_dim3A_305 = vector.shape_cast %and3A_9 : vector<16xi32> to vector<16x1xi32>
          %gather3A = vector.shape_cast %broadcast_in_dim3A_305 : vector<16x1xi32> to vector<16xi32>
          %gather3A_306 = tpu.dynamic_gather %add3A_304[%gather3A] in [0] : vector<16xf32>, vector<16xi32> -> vector<16xf32>
          %add3A_307 = arith.addf %add3A_304, %gather3A_306 : vector<16xf32>
          %broadcast_in_dim3A_308 = vector.shape_cast %and3A_15 : vector<16xi32> to vector<16x1xi32>
          %gather3A_309 = vector.shape_cast %broadcast_in_dim3A_308 : vector<16x1xi32> to vector<16xi32>
          %gather3A_310 = tpu.dynamic_gather %add3A_307[%gather3A_309] in [0] : vector<16xf32>, vector<16xi32> -> vector<16xf32>
          %add3A_311 = arith.addf %add3A_307, %gather3A_310 : vector<16xf32>
          %broadcast_in_dim3A_312 = vector.shape_cast %and3A_21 : vector<16xi32> to vector<16x1xi32>
          %gather3A_313 = vector.shape_cast %broadcast_in_dim3A_312 : vector<16x1xi32> to vector<16xi32>
          %gather3A_314 = tpu.dynamic_gather %add3A_311[%gather3A_313] in [0] : vector<16xf32>, vector<16xi32> -> vector<16xf32>
          %add3A_315 = arith.addf %add3A_311, %gather3A_314 : vector<16xf32>
          %broadcast_in_dim3A_316 = vector.shape_cast %and3A_27 : vector<16xi32> to vector<16x1xi32>
          %gather3A_317 = vector.shape_cast %broadcast_in_dim3A_316 : vector<16x1xi32> to vector<16xi32>
          %gather3A_318 = tpu.dynamic_gather %add3A_315[%gather3A_317] in [0] : vector<16xf32>, vector<16xi32> -> vector<16xf32>
          %add3A_319 = arith.addf %add3A_315, %gather3A_318 : vector<16xf32>
          %eq3A = vector.broadcast %add3A_240 : i32 to vector<16xi32>
          %eq3A_320 = arith.cmpi eq, %iota3A, %eq3A : vector<16xi32>
          %select_n3A = arith.select %eq3A_320, %add3A_319, %scan3A_236 : vector<16xi1>, vector<16xf32>
          %mul3A_321 = arith.constant 2 : i32
          %mul3A_322 = arith.muli %scan3A_235, %mul3A_321 : i32
          %add3A_323 = arith.constant 1 : i32
          %add3A_324 = arith.addi %mul3A_322, %add3A_323 : i32
          %add3A_325 = arith.addi %mul3A_218, %add3A_324 : i32
          %get3A_326 = arith.index_cast %add3A_325 : i32 to index
          %get3A_327 = arith.constant 0 : index
          %get3A_328 = tpu.vector_load %arg10[%get3A_326, %get3A_327] {strides = array<i32>} : memref<80x128xf32, #tpu.memory_space<vmem>>, vector<16xf32>,
          %get3A_329 = arith.index_cast %add3A_325 : i32 to index
          %get3A_330 = arith.constant 0 : index
          %get3A_331 = tpu.vector_load %arg14[%get3A_329, %get3A_330] {strides = array<i32>} : memref<80x128xf32, #tpu.memory_space<vmem>>, vector<16xf32>,
          %mul3A_332 = arith.mulf %get3A_328, %get3A_331 : vector<16xf32>
          %get3A_333 = arith.index_cast %add3A_325 : i32 to index
          %get3A_334 = arith.constant 16 : index
          %get3A_335 = tpu.vector_load %arg10[%get3A_333, %get3A_334] {strides = array<i32>} : memref<80x128xf32, #tpu.memory_space<vmem>>, vector<16xf32>,
          %get3A_336 = arith.index_cast %add3A_325 : i32 to index
          %get3A_337 = arith.constant 16 : index
          %get3A_338 = tpu.vector_load %arg14[%get3A_336, %get3A_337] {strides = array<i32>} : memref<80x128xf32, #tpu.memory_space<vmem>>, vector<16xf32>,
          %mul3A_339 = arith.mulf %get3A_335, %get3A_338 : vector<16xf32>
          %get3A_340 = arith.index_cast %add3A_325 : i32 to index
          %get3A_341 = arith.constant 32 : index
          %get3A_342 = tpu.vector_load %arg10[%get3A_340, %get3A_341] {strides = array<i32>} : memref<80x128xf32, #tpu.memory_space<vmem>>, vector<16xf32>,
          %get3A_343 = arith.index_cast %add3A_325 : i32 to index
          %get3A_344 = arith.constant 32 : index
          %get3A_345 = tpu.vector_load %arg14[%get3A_343, %get3A_344] {strides = array<i32>} : memref<80x128xf32, #tpu.memory_space<vmem>>, vector<16xf32>,
          %mul3A_346 = arith.mulf %get3A_342, %get3A_345 : vector<16xf32>
          %add3A_347 = arith.addf %mul3A_332, %mul3A_346 : vector<16xf32>
          %get3A_348 = arith.index_cast %add3A_325 : i32 to index
          %get3A_349 = arith.constant 48 : index
          %get3A_350 = tpu.vector_load %arg10[%get3A_348, %get3A_349] {strides = array<i32>} : memref<80x128xf32, #tpu.memory_space<vmem>>, vector<16xf32>,
          %get3A_351 = arith.index_cast %add3A_325 : i32 to index
          %get3A_352 = arith.constant 48 : index
          %get3A_353 = tpu.vector_load %arg14[%get3A_351, %get3A_352] {strides = array<i32>} : memref<80x128xf32, #tpu.memory_space<vmem>>, vector<16xf32>,
          %mul3A_354 = arith.mulf %get3A_350, %get3A_353 : vector<16xf32>
          %add3A_355 = arith.addf %mul3A_339, %mul3A_354 : vector<16xf32>
          %get3A_356 = arith.index_cast %add3A_325 : i32 to index
          %get3A_357 = arith.constant 64 : index
          %get3A_358 = tpu.vector_load %arg10[%get3A_356, %get3A_357] {strides = array<i32>} : memref<80x128xf32, #tpu.memory_space<vmem>>, vector<16xf32>,
          %get3A_359 = arith.index_cast %add3A_325 : i32 to index
          %get3A_360 = arith.constant 64 : index
          %get3A_361 = tpu.vector_load %arg14[%get3A_359, %get3A_360] {strides = array<i32>} : memref<80x128xf32, #tpu.memory_space<vmem>>, vector<16xf32>,
          %mul3A_362 = arith.mulf %get3A_358, %get3A_361 : vector<16xf32>
          %add3A_363 = arith.addf %add3A_347, %mul3A_362 : vector<16xf32>
          %get3A_364 = arith.index_cast %add3A_325 : i32 to index
          %get3A_365 = arith.constant 80 : index
          %get3A_366 = tpu.vector_load %arg10[%get3A_364, %get3A_365] {strides = array<i32>} : memref<80x128xf32, #tpu.memory_space<vmem>>, vector<16xf32>,
          %get3A_367 = arith.index_cast %add3A_325 : i32 to index
          %get3A_368 = arith.constant 80 : index
          %get3A_369 = tpu.vector_load %arg14[%get3A_367, %get3A_368] {strides = array<i32>} : memref<80x128xf32, #tpu.memory_space<vmem>>, vector<16xf32>,
          %mul3A_370 = arith.mulf %get3A_366, %get3A_369 : vector<16xf32>
          %add3A_371 = arith.addf %add3A_355, %mul3A_370 : vector<16xf32>
          %get3A_372 = arith.index_cast %add3A_325 : i32 to index
          %get3A_373 = arith.constant 96 : index
          %get3A_374 = tpu.vector_load %arg10[%get3A_372, %get3A_373] {strides = array<i32>} : memref<80x128xf32, #tpu.memory_space<vmem>>, vector<16xf32>,
          %get3A_375 = arith.index_cast %add3A_325 : i32 to index
          %get3A_376 = arith.constant 96 : index
          %get3A_377 = tpu.vector_load %arg14[%get3A_375, %get3A_376] {strides = array<i32>} : memref<80x128xf32, #tpu.memory_space<vmem>>, vector<16xf32>,
          %mul3A_378 = arith.mulf %get3A_374, %get3A_377 : vector<16xf32>
          %add3A_379 = arith.addf %add3A_363, %mul3A_378 : vector<16xf32>
          %get3A_380 = arith.index_cast %add3A_325 : i32 to index
          %get3A_381 = arith.constant 112 : index
          %get3A_382 = tpu.vector_load %arg10[%get3A_380, %get3A_381] {strides = array<i32>} : memref<80x128xf32, #tpu.memory_space<vmem>>, vector<16xf32>,
          %get3A_383 = arith.index_cast %add3A_325 : i32 to index
          %get3A_384 = arith.constant 112 : index
          %get3A_385 = tpu.vector_load %arg14[%get3A_383, %get3A_384] {strides = array<i32>} : memref<80x128xf32, #tpu.memory_space<vmem>>, vector<16xf32>,
          %mul3A_386 = arith.mulf %get3A_382, %get3A_385 : vector<16xf32>
          %add3A_387 = arith.addf %add3A_371, %mul3A_386 : vector<16xf32>
          %add3A_388 = arith.addf %add3A_379, %add3A_387 : vector<16xf32>
          %broadcast_in_dim3A_389 = vector.shape_cast %and3A_9 : vector<16xi32> to vector<16x1xi32>
          %gather3A_390 = vector.shape_cast %broadcast_in_dim3A_389 : vector<16x1xi32> to vector<16xi32>
          %gather3A_391 = tpu.dynamic_gather %add3A_388[%gather3A_390] in [0] : vector<16xf32>, vector<16xi32> -> vector<16xf32>
          %add3A_392 = arith.addf %add3A_388, %gather3A_391 : vector<16xf32>
          %broadcast_in_dim3A_393 = vector.shape_cast %and3A_15 : vector<16xi32> to vector<16x1xi32>
          %gather3A_394 = vector.shape_cast %broadcast_in_dim3A_393 : vector<16x1xi32> to vector<16xi32>
          %gather3A_395 = tpu.dynamic_gather %add3A_392[%gather3A_394] in [0] : vector<16xf32>, vector<16xi32> -> vector<16xf32>
          %add3A_396 = arith.addf %add3A_392, %gather3A_395 : vector<16xf32>
          %broadcast_in_dim3A_397 = vector.shape_cast %and3A_21 : vector<16xi32> to vector<16x1xi32>
          %gather3A_398 = vector.shape_cast %broadcast_in_dim3A_397 : vector<16x1xi32> to vector<16xi32>
          %gather3A_399 = tpu.dynamic_gather %add3A_396[%gather3A_398] in [0] : vector<16xf32>, vector<16xi32> -> vector<16xf32>
          %add3A_400 = arith.addf %add3A_396, %gather3A_399 : vector<16xf32>
          %broadcast_in_dim3A_401 = vector.shape_cast %and3A_27 : vector<16xi32> to vector<16x1xi32>
          %gather3A_402 = vector.shape_cast %broadcast_in_dim3A_401 : vector<16x1xi32> to vector<16xi32>
          %gather3A_403 = tpu.dynamic_gather %add3A_400[%gather3A_402] in [0] : vector<16xf32>, vector<16xi32> -> vector<16xf32>
          %add3A_404 = arith.addf %add3A_400, %gather3A_403 : vector<16xf32>
          %eq3A_405 = vector.broadcast %add3A_324 : i32 to vector<16xi32>
          %eq3A_406 = arith.cmpi eq, %iota3A, %eq3A_405 : vector<16xi32>
          %select_n3A_407 = arith.select %eq3A_406, %add3A_404, %select_n3A : vector<16xi1>, vector<16xf32>
          scf.yield %select_n3A_407 : vector<16xf32>
        }
        %scan3A_225 = arith.constant 8 : i32
        %mul3A_226 = arith.mulf %scan3A_224, %get3A_30 : vector<16xf32>
        %add3A_227 = arith.addf %mul3A_226, %get3A_38 : vector<16xf32>
        %add3A_228 = arith.addi %mul3A_144, %mul3A_218 : i32
        %swap3A = arith.index_cast %add3A_228 : i32 to index
        %swap3A_229 = tpu.vector_load %arg17[%swap3A] {strides = array<i32>} : memref<10016xf32, #tpu.memory_space<vmem>>, vector<16xf32>,
        tpu.vector_store %arg17[%swap3A], %add3A_227 {strides = array<i32>} : memref<10016xf32, #tpu.memory_space<vmem>>, vector<16xf32>,
        %mul3A_230 = arith.mulf %scan3A_224, %get3A_34 : vector<16xf32>
        %add3A_231 = arith.addf %mul3A_230, %get3A_42 : vector<16xf32>
        %add3A_232 = arith.addi %mul3A_144, %mul3A_218 : i32
        %swap3A_233 = arith.index_cast %add3A_232 : i32 to index
        %swap3A_234 = tpu.vector_load %arg18[%swap3A_233] {strides = array<i32>} : memref<10016xf32, #tpu.memory_space<vmem>>, vector<16xf32>,
        tpu.vector_store %arg18[%swap3A_233], %add3A_231 {strides = array<i32>} : memref<10016xf32, #tpu.memory_space<vmem>>, vector<16xf32>,
      }
      %scan3A_150 = arith.constant 5 : i32
      %add3A_151 = arith.constant 4 : i32
      %add3A_152 = arith.addi %add3A_132, %add3A_151 : i32
      %lt3A_153 = arith.constant 125 : i32
      %lt3A_154 = arith.cmpi slt, %add3A_152, %lt3A_153 : i32
      %convert_element_type3A_155 = arith.extui %lt3A_154 : i1 to i32
      %cond3A_156 = arith.constant 0 : i32
      %cond3A_157 = arith.cmpi ne, %convert_element_type3A_155, %cond3A_156 : i32
      scf.if %cond3A_157 {
        %add3A_216 = arith.constant 4 : i32
        %add3A_217 = arith.addi %add3A_132, %add3A_216 : i32
        %mul3A_218 = arith.constant 80 : i32
        %mul3A_219 = arith.muli %add3A_217, %mul3A_218 : i32
        %dma_start3A_220 = tpu.memref_slice %arg7[%mul3A_219] : memref<10000xi32, #tpu.memory_space<vmem>> -> memref<80xi32, #tpu.memory_space<vmem>>
        %dma_start3A_221 = arith.constant 0 : i32
        %dma_start3A_222 = arith.constant 0 : i32
        %dma_start3A_223 = tpu.memref_slice %arg2[%dma_start3A_221, %dma_start3A_222] : memref<10000x128xf32, #tpu.memory_space<hbm>> -> memref<10000x128xf32, #tpu.memory_space<hbm>>
        tpu.enqueue_indirect_dma source(%dma_start3A_223 : memref<10000x128xf32, #tpu.memory_space<hbm>>) target(%arg10 : memref<80x128xf32, #tpu.memory_space<vmem>>) offsets(%dma_start3A_220 : memref<80xi32, #tpu.memory_space<vmem>>) semaphore(%arg21 : memref<!tpu.dma_semaphore, #tpu.memory_space<semaphore_mem>>)
        %dma_start3A_224 = tpu.memref_slice %arg8[%mul3A_219] : memref<10000xi32, #tpu.memory_space<vmem>> -> memref<80xi32, #tpu.memory_space<vmem>>
        %dma_start3A_225 = arith.constant 0 : i32
        %dma_start3A_226 = arith.constant 0 : i32
        %dma_start3A_227 = tpu.memref_slice %arg2[%dma_start3A_225, %dma_start3A_226] : memref<10000x128xf32, #tpu.memory_space<hbm>> -> memref<10000x128xf32, #tpu.memory_space<hbm>>
        tpu.enqueue_indirect_dma source(%dma_start3A_227 : memref<10000x128xf32, #tpu.memory_space<hbm>>) target(%arg14 : memref<80x128xf32, #tpu.memory_space<vmem>>) offsets(%dma_start3A_224 : memref<80xi32, #tpu.memory_space<vmem>>) semaphore(%arg21 : memref<!tpu.dma_semaphore, #tpu.memory_space<semaphore_mem>>)
      } else {
      }
      %mul3A_158 = arith.constant 4 : i32
      %mul3A_159 = arith.muli %mul3A_158, %scan3A_102 : i32
      %add3A_160 = arith.constant 2 : i32
      %add3A_161 = arith.addi %mul3A_159, %add3A_160 : i32
      %mul3A_162 = arith.constant 80 : i32
      %mul3A_163 = arith.muli %add3A_161, %mul3A_162 : i32
      %dma_wait3A_164 = tpu.memref_slice %arg7[%mul3A_163] : memref<10000xi32, #tpu.memory_space<vmem>> -> memref<80xi32, #tpu.memory_space<vmem>>
      %dma_wait3A_165 = arith.constant 0 : i32
      %dma_wait3A_166 = arith.constant 0 : i32
      %dma_wait3A_167 = tpu.memref_slice %arg2[%dma_wait3A_165, %dma_wait3A_166] : memref<10000x128xf32, #tpu.memory_space<hbm>> -> memref<10000x128xf32, #tpu.memory_space<hbm>>
      tpu.wait_indirect_dma semaphore(%arg22 : memref<!tpu.dma_semaphore, #tpu.memory_space<semaphore_mem>>) src(%dma_wait3A_167 : memref<10000x128xf32, #tpu.memory_space<hbm>>) dst(%arg11 : memref<80x128xf32, #tpu.memory_space<vmem>>)
      %dma_wait3A_168 = tpu.memref_slice %arg8[%mul3A_163] : memref<10000xi32, #tpu.memory_space<vmem>> -> memref<80xi32, #tpu.memory_space<vmem>>
      %dma_wait3A_169 = arith.constant 0 : i32
      %dma_wait3A_170 = arith.constant 0 : i32
      %dma_wait3A_171 = tpu.memref_slice %arg2[%dma_wait3A_169, %dma_wait3A_170] : memref<10000x128xf32, #tpu.memory_space<hbm>> -> memref<10000x128xf32, #tpu.memory_space<hbm>>
      tpu.wait_indirect_dma semaphore(%arg22 : memref<!tpu.dma_semaphore, #tpu.memory_space<semaphore_mem>>) src(%dma_wait3A_171 : memref<10000x128xf32, #tpu.memory_space<hbm>>) dst(%arg15 : memref<80x128xf32, #tpu.memory_space<vmem>>)
      %mul3A_172 = arith.constant 80 : i32
      %mul3A_173 = arith.muli %add3A_161, %mul3A_172 : i32
      %scan3A_174 = arith.constant 0 : i32
      %scan3A_175 = arith.constant 0 : i32
      %scan3A_176 = arith.constant 5 : i32
      %scan3A_177 = arith.addi %scan3A_175, %scan3A_176 : i32
      %scan3A_178 = arith.constant 1 : i32
      scf.for %scan3A_216 = %scan3A_175 to %scan3A_177 step %scan3A_178  : i32 {
        %mul3A_217 = arith.constant 16 : i32
        %mul3A_218 = arith.muli %scan3A_216, %mul3A_217 : i32
        %broadcast_in_dim3A = arith.constant 0.000000e+00 : f32
        %broadcast_in_dim3A_219 = vector.broadcast %broadcast_in_dim3A : f32 to vector<16xf32>
        %scan3A_220 = arith.constant 0 : i32
        %scan3A_221 = arith.constant 8 : i32
        %scan3A_222 = arith.addi %scan3A_220, %scan3A_221 : i32
        %scan3A_223 = arith.constant 1 : i32
        %scan3A_224 = scf.for %scan3A_235 = %scan3A_220 to %scan3A_222 step %scan3A_223 iter_args(%scan3A_236 = %broadcast_in_dim3A_219) -> (vector<16xf32>)  : i32 {
          %mul3A_237 = arith.constant 2 : i32
          %mul3A_238 = arith.muli %scan3A_235, %mul3A_237 : i32
          %add3A_239 = arith.constant 0 : i32
          %add3A_240 = arith.addi %mul3A_238, %add3A_239 : i32
          %add3A_241 = arith.addi %mul3A_218, %add3A_240 : i32
          %get3A_242 = arith.index_cast %add3A_241 : i32 to index
          %get3A_243 = arith.constant 0 : index
          %get3A_244 = tpu.vector_load %arg11[%get3A_242, %get3A_243] {strides = array<i32>} : memref<80x128xf32, #tpu.memory_space<vmem>>, vector<16xf32>,
          %get3A_245 = arith.index_cast %add3A_241 : i32 to index
          %get3A_246 = arith.constant 0 : index
          %get3A_247 = tpu.vector_load %arg15[%get3A_245, %get3A_246] {strides = array<i32>} : memref<80x128xf32, #tpu.memory_space<vmem>>, vector<16xf32>,
          %mul3A_248 = arith.mulf %get3A_244, %get3A_247 : vector<16xf32>
          %get3A_249 = arith.index_cast %add3A_241 : i32 to index
          %get3A_250 = arith.constant 16 : index
          %get3A_251 = tpu.vector_load %arg11[%get3A_249, %get3A_250] {strides = array<i32>} : memref<80x128xf32, #tpu.memory_space<vmem>>, vector<16xf32>,
          %get3A_252 = arith.index_cast %add3A_241 : i32 to index
          %get3A_253 = arith.constant 16 : index
          %get3A_254 = tpu.vector_load %arg15[%get3A_252, %get3A_253] {strides = array<i32>} : memref<80x128xf32, #tpu.memory_space<vmem>>, vector<16xf32>,
          %mul3A_255 = arith.mulf %get3A_251, %get3A_254 : vector<16xf32>
          %get3A_256 = arith.index_cast %add3A_241 : i32 to index
          %get3A_257 = arith.constant 32 : index
          %get3A_258 = tpu.vector_load %arg11[%get3A_256, %get3A_257] {strides = array<i32>} : memref<80x128xf32, #tpu.memory_space<vmem>>, vector<16xf32>,
          %get3A_259 = arith.index_cast %add3A_241 : i32 to index
          %get3A_260 = arith.constant 32 : index
          %get3A_261 = tpu.vector_load %arg15[%get3A_259, %get3A_260] {strides = array<i32>} : memref<80x128xf32, #tpu.memory_space<vmem>>, vector<16xf32>,
          %mul3A_262 = arith.mulf %get3A_258, %get3A_261 : vector<16xf32>
          %add3A_263 = arith.addf %mul3A_248, %mul3A_262 : vector<16xf32>
          %get3A_264 = arith.index_cast %add3A_241 : i32 to index
          %get3A_265 = arith.constant 48 : index
          %get3A_266 = tpu.vector_load %arg11[%get3A_264, %get3A_265] {strides = array<i32>} : memref<80x128xf32, #tpu.memory_space<vmem>>, vector<16xf32>,
          %get3A_267 = arith.index_cast %add3A_241 : i32 to index
          %get3A_268 = arith.constant 48 : index
          %get3A_269 = tpu.vector_load %arg15[%get3A_267, %get3A_268] {strides = array<i32>} : memref<80x128xf32, #tpu.memory_space<vmem>>, vector<16xf32>,
          %mul3A_270 = arith.mulf %get3A_266, %get3A_269 : vector<16xf32>
          %add3A_271 = arith.addf %mul3A_255, %mul3A_270 : vector<16xf32>
          %get3A_272 = arith.index_cast %add3A_241 : i32 to index
          %get3A_273 = arith.constant 64 : index
          %get3A_274 = tpu.vector_load %arg11[%get3A_272, %get3A_273] {strides = array<i32>} : memref<80x128xf32, #tpu.memory_space<vmem>>, vector<16xf32>,
          %get3A_275 = arith.index_cast %add3A_241 : i32 to index
          %get3A_276 = arith.constant 64 : index
          %get3A_277 = tpu.vector_load %arg15[%get3A_275, %get3A_276] {strides = array<i32>} : memref<80x128xf32, #tpu.memory_space<vmem>>, vector<16xf32>,
          %mul3A_278 = arith.mulf %get3A_274, %get3A_277 : vector<16xf32>
          %add3A_279 = arith.addf %add3A_263, %mul3A_278 : vector<16xf32>
          %get3A_280 = arith.index_cast %add3A_241 : i32 to index
          %get3A_281 = arith.constant 80 : index
          %get3A_282 = tpu.vector_load %arg11[%get3A_280, %get3A_281] {strides = array<i32>} : memref<80x128xf32, #tpu.memory_space<vmem>>, vector<16xf32>,
          %get3A_283 = arith.index_cast %add3A_241 : i32 to index
          %get3A_284 = arith.constant 80 : index
          %get3A_285 = tpu.vector_load %arg15[%get3A_283, %get3A_284] {strides = array<i32>} : memref<80x128xf32, #tpu.memory_space<vmem>>, vector<16xf32>,
          %mul3A_286 = arith.mulf %get3A_282, %get3A_285 : vector<16xf32>
          %add3A_287 = arith.addf %add3A_271, %mul3A_286 : vector<16xf32>
          %get3A_288 = arith.index_cast %add3A_241 : i32 to index
          %get3A_289 = arith.constant 96 : index
          %get3A_290 = tpu.vector_load %arg11[%get3A_288, %get3A_289] {strides = array<i32>} : memref<80x128xf32, #tpu.memory_space<vmem>>, vector<16xf32>,
          %get3A_291 = arith.index_cast %add3A_241 : i32 to index
          %get3A_292 = arith.constant 96 : index
          %get3A_293 = tpu.vector_load %arg15[%get3A_291, %get3A_292] {strides = array<i32>} : memref<80x128xf32, #tpu.memory_space<vmem>>, vector<16xf32>,
          %mul3A_294 = arith.mulf %get3A_290, %get3A_293 : vector<16xf32>
          %add3A_295 = arith.addf %add3A_279, %mul3A_294 : vector<16xf32>
          %get3A_296 = arith.index_cast %add3A_241 : i32 to index
          %get3A_297 = arith.constant 112 : index
          %get3A_298 = tpu.vector_load %arg11[%get3A_296, %get3A_297] {strides = array<i32>} : memref<80x128xf32, #tpu.memory_space<vmem>>, vector<16xf32>,
          %get3A_299 = arith.index_cast %add3A_241 : i32 to index
          %get3A_300 = arith.constant 112 : index
          %get3A_301 = tpu.vector_load %arg15[%get3A_299, %get3A_300] {strides = array<i32>} : memref<80x128xf32, #tpu.memory_space<vmem>>, vector<16xf32>,
          %mul3A_302 = arith.mulf %get3A_298, %get3A_301 : vector<16xf32>
          %add3A_303 = arith.addf %add3A_287, %mul3A_302 : vector<16xf32>
          %add3A_304 = arith.addf %add3A_295, %add3A_303 : vector<16xf32>
          %broadcast_in_dim3A_305 = vector.shape_cast %and3A_9 : vector<16xi32> to vector<16x1xi32>
          %gather3A = vector.shape_cast %broadcast_in_dim3A_305 : vector<16x1xi32> to vector<16xi32>
          %gather3A_306 = tpu.dynamic_gather %add3A_304[%gather3A] in [0] : vector<16xf32>, vector<16xi32> -> vector<16xf32>
          %add3A_307 = arith.addf %add3A_304, %gather3A_306 : vector<16xf32>
          %broadcast_in_dim3A_308 = vector.shape_cast %and3A_15 : vector<16xi32> to vector<16x1xi32>
          %gather3A_309 = vector.shape_cast %broadcast_in_dim3A_308 : vector<16x1xi32> to vector<16xi32>
          %gather3A_310 = tpu.dynamic_gather %add3A_307[%gather3A_309] in [0] : vector<16xf32>, vector<16xi32> -> vector<16xf32>
          %add3A_311 = arith.addf %add3A_307, %gather3A_310 : vector<16xf32>
          %broadcast_in_dim3A_312 = vector.shape_cast %and3A_21 : vector<16xi32> to vector<16x1xi32>
          %gather3A_313 = vector.shape_cast %broadcast_in_dim3A_312 : vector<16x1xi32> to vector<16xi32>
          %gather3A_314 = tpu.dynamic_gather %add3A_311[%gather3A_313] in [0] : vector<16xf32>, vector<16xi32> -> vector<16xf32>
          %add3A_315 = arith.addf %add3A_311, %gather3A_314 : vector<16xf32>
          %broadcast_in_dim3A_316 = vector.shape_cast %and3A_27 : vector<16xi32> to vector<16x1xi32>
          %gather3A_317 = vector.shape_cast %broadcast_in_dim3A_316 : vector<16x1xi32> to vector<16xi32>
          %gather3A_318 = tpu.dynamic_gather %add3A_315[%gather3A_317] in [0] : vector<16xf32>, vector<16xi32> -> vector<16xf32>
          %add3A_319 = arith.addf %add3A_315, %gather3A_318 : vector<16xf32>
          %eq3A = vector.broadcast %add3A_240 : i32 to vector<16xi32>
          %eq3A_320 = arith.cmpi eq, %iota3A, %eq3A : vector<16xi32>
          %select_n3A = arith.select %eq3A_320, %add3A_319, %scan3A_236 : vector<16xi1>, vector<16xf32>
          %mul3A_321 = arith.constant 2 : i32
          %mul3A_322 = arith.muli %scan3A_235, %mul3A_321 : i32
          %add3A_323 = arith.constant 1 : i32
          %add3A_324 = arith.addi %mul3A_322, %add3A_323 : i32
          %add3A_325 = arith.addi %mul3A_218, %add3A_324 : i32
          %get3A_326 = arith.index_cast %add3A_325 : i32 to index
          %get3A_327 = arith.constant 0 : index
          %get3A_328 = tpu.vector_load %arg11[%get3A_326, %get3A_327] {strides = array<i32>} : memref<80x128xf32, #tpu.memory_space<vmem>>, vector<16xf32>,
          %get3A_329 = arith.index_cast %add3A_325 : i32 to index
          %get3A_330 = arith.constant 0 : index
          %get3A_331 = tpu.vector_load %arg15[%get3A_329, %get3A_330] {strides = array<i32>} : memref<80x128xf32, #tpu.memory_space<vmem>>, vector<16xf32>,
          %mul3A_332 = arith.mulf %get3A_328, %get3A_331 : vector<16xf32>
          %get3A_333 = arith.index_cast %add3A_325 : i32 to index
          %get3A_334 = arith.constant 16 : index
          %get3A_335 = tpu.vector_load %arg11[%get3A_333, %get3A_334] {strides = array<i32>} : memref<80x128xf32, #tpu.memory_space<vmem>>, vector<16xf32>,
          %get3A_336 = arith.index_cast %add3A_325 : i32 to index
          %get3A_337 = arith.constant 16 : index
          %get3A_338 = tpu.vector_load %arg15[%get3A_336, %get3A_337] {strides = array<i32>} : memref<80x128xf32, #tpu.memory_space<vmem>>, vector<16xf32>,
          %mul3A_339 = arith.mulf %get3A_335, %get3A_338 : vector<16xf32>
          %get3A_340 = arith.index_cast %add3A_325 : i32 to index
          %get3A_341 = arith.constant 32 : index
          %get3A_342 = tpu.vector_load %arg11[%get3A_340, %get3A_341] {strides = array<i32>} : memref<80x128xf32, #tpu.memory_space<vmem>>, vector<16xf32>,
          %get3A_343 = arith.index_cast %add3A_325 : i32 to index
          %get3A_344 = arith.constant 32 : index
          %get3A_345 = tpu.vector_load %arg15[%get3A_343, %get3A_344] {strides = array<i32>} : memref<80x128xf32, #tpu.memory_space<vmem>>, vector<16xf32>,
          %mul3A_346 = arith.mulf %get3A_342, %get3A_345 : vector<16xf32>
          %add3A_347 = arith.addf %mul3A_332, %mul3A_346 : vector<16xf32>
          %get3A_348 = arith.index_cast %add3A_325 : i32 to index
          %get3A_349 = arith.constant 48 : index
          %get3A_350 = tpu.vector_load %arg11[%get3A_348, %get3A_349] {strides = array<i32>} : memref<80x128xf32, #tpu.memory_space<vmem>>, vector<16xf32>,
          %get3A_351 = arith.index_cast %add3A_325 : i32 to index
          %get3A_352 = arith.constant 48 : index
          %get3A_353 = tpu.vector_load %arg15[%get3A_351, %get3A_352] {strides = array<i32>} : memref<80x128xf32, #tpu.memory_space<vmem>>, vector<16xf32>,
          %mul3A_354 = arith.mulf %get3A_350, %get3A_353 : vector<16xf32>
          %add3A_355 = arith.addf %mul3A_339, %mul3A_354 : vector<16xf32>
          %get3A_356 = arith.index_cast %add3A_325 : i32 to index
          %get3A_357 = arith.constant 64 : index
          %get3A_358 = tpu.vector_load %arg11[%get3A_356, %get3A_357] {strides = array<i32>} : memref<80x128xf32, #tpu.memory_space<vmem>>, vector<16xf32>,
          %get3A_359 = arith.index_cast %add3A_325 : i32 to index
          %get3A_360 = arith.constant 64 : index
          %get3A_361 = tpu.vector_load %arg15[%get3A_359, %get3A_360] {strides = array<i32>} : memref<80x128xf32, #tpu.memory_space<vmem>>, vector<16xf32>,
          %mul3A_362 = arith.mulf %get3A_358, %get3A_361 : vector<16xf32>
          %add3A_363 = arith.addf %add3A_347, %mul3A_362 : vector<16xf32>
          %get3A_364 = arith.index_cast %add3A_325 : i32 to index
          %get3A_365 = arith.constant 80 : index
          %get3A_366 = tpu.vector_load %arg11[%get3A_364, %get3A_365] {strides = array<i32>} : memref<80x128xf32, #tpu.memory_space<vmem>>, vector<16xf32>,
          %get3A_367 = arith.index_cast %add3A_325 : i32 to index
          %get3A_368 = arith.constant 80 : index
          %get3A_369 = tpu.vector_load %arg15[%get3A_367, %get3A_368] {strides = array<i32>} : memref<80x128xf32, #tpu.memory_space<vmem>>, vector<16xf32>,
          %mul3A_370 = arith.mulf %get3A_366, %get3A_369 : vector<16xf32>
          %add3A_371 = arith.addf %add3A_355, %mul3A_370 : vector<16xf32>
          %get3A_372 = arith.index_cast %add3A_325 : i32 to index
          %get3A_373 = arith.constant 96 : index
          %get3A_374 = tpu.vector_load %arg11[%get3A_372, %get3A_373] {strides = array<i32>} : memref<80x128xf32, #tpu.memory_space<vmem>>, vector<16xf32>,
          %get3A_375 = arith.index_cast %add3A_325 : i32 to index
          %get3A_376 = arith.constant 96 : index
          %get3A_377 = tpu.vector_load %arg15[%get3A_375, %get3A_376] {strides = array<i32>} : memref<80x128xf32, #tpu.memory_space<vmem>>, vector<16xf32>,
          %mul3A_378 = arith.mulf %get3A_374, %get3A_377 : vector<16xf32>
          %add3A_379 = arith.addf %add3A_363, %mul3A_378 : vector<16xf32>
          %get3A_380 = arith.index_cast %add3A_325 : i32 to index
          %get3A_381 = arith.constant 112 : index
          %get3A_382 = tpu.vector_load %arg11[%get3A_380, %get3A_381] {strides = array<i32>} : memref<80x128xf32, #tpu.memory_space<vmem>>, vector<16xf32>,
          %get3A_383 = arith.index_cast %add3A_325 : i32 to index
          %get3A_384 = arith.constant 112 : index
          %get3A_385 = tpu.vector_load %arg15[%get3A_383, %get3A_384] {strides = array<i32>} : memref<80x128xf32, #tpu.memory_space<vmem>>, vector<16xf32>,
          %mul3A_386 = arith.mulf %get3A_382, %get3A_385 : vector<16xf32>
          %add3A_387 = arith.addf %add3A_371, %mul3A_386 : vector<16xf32>
          %add3A_388 = arith.addf %add3A_379, %add3A_387 : vector<16xf32>
          %broadcast_in_dim3A_389 = vector.shape_cast %and3A_9 : vector<16xi32> to vector<16x1xi32>
          %gather3A_390 = vector.shape_cast %broadcast_in_dim3A_389 : vector<16x1xi32> to vector<16xi32>
          %gather3A_391 = tpu.dynamic_gather %add3A_388[%gather3A_390] in [0] : vector<16xf32>, vector<16xi32> -> vector<16xf32>
          %add3A_392 = arith.addf %add3A_388, %gather3A_391 : vector<16xf32>
          %broadcast_in_dim3A_393 = vector.shape_cast %and3A_15 : vector<16xi32> to vector<16x1xi32>
          %gather3A_394 = vector.shape_cast %broadcast_in_dim3A_393 : vector<16x1xi32> to vector<16xi32>
          %gather3A_395 = tpu.dynamic_gather %add3A_392[%gather3A_394] in [0] : vector<16xf32>, vector<16xi32> -> vector<16xf32>
          %add3A_396 = arith.addf %add3A_392, %gather3A_395 : vector<16xf32>
          %broadcast_in_dim3A_397 = vector.shape_cast %and3A_21 : vector<16xi32> to vector<16x1xi32>
          %gather3A_398 = vector.shape_cast %broadcast_in_dim3A_397 : vector<16x1xi32> to vector<16xi32>
          %gather3A_399 = tpu.dynamic_gather %add3A_396[%gather3A_398] in [0] : vector<16xf32>, vector<16xi32> -> vector<16xf32>
          %add3A_400 = arith.addf %add3A_396, %gather3A_399 : vector<16xf32>
          %broadcast_in_dim3A_401 = vector.shape_cast %and3A_27 : vector<16xi32> to vector<16x1xi32>
          %gather3A_402 = vector.shape_cast %broadcast_in_dim3A_401 : vector<16x1xi32> to vector<16xi32>
          %gather3A_403 = tpu.dynamic_gather %add3A_400[%gather3A_402] in [0] : vector<16xf32>, vector<16xi32> -> vector<16xf32>
          %add3A_404 = arith.addf %add3A_400, %gather3A_403 : vector<16xf32>
          %eq3A_405 = vector.broadcast %add3A_324 : i32 to vector<16xi32>
          %eq3A_406 = arith.cmpi eq, %iota3A, %eq3A_405 : vector<16xi32>
          %select_n3A_407 = arith.select %eq3A_406, %add3A_404, %select_n3A : vector<16xi1>, vector<16xf32>
          scf.yield %select_n3A_407 : vector<16xf32>
        }
        %scan3A_225 = arith.constant 8 : i32
        %mul3A_226 = arith.mulf %scan3A_224, %get3A_30 : vector<16xf32>
        %add3A_227 = arith.addf %mul3A_226, %get3A_38 : vector<16xf32>
        %add3A_228 = arith.addi %mul3A_173, %mul3A_218 : i32
        %swap3A = arith.index_cast %add3A_228 : i32 to index
        %swap3A_229 = tpu.vector_load %arg17[%swap3A] {strides = array<i32>} : memref<10016xf32, #tpu.memory_space<vmem>>, vector<16xf32>,
        tpu.vector_store %arg17[%swap3A], %add3A_227 {strides = array<i32>} : memref<10016xf32, #tpu.memory_space<vmem>>, vector<16xf32>,
        %mul3A_230 = arith.mulf %scan3A_224, %get3A_34 : vector<16xf32>
        %add3A_231 = arith.addf %mul3A_230, %get3A_42 : vector<16xf32>
        %add3A_232 = arith.addi %mul3A_173, %mul3A_218 : i32
        %swap3A_233 = arith.index_cast %add3A_232 : i32 to index
        %swap3A_234 = tpu.vector_load %arg18[%swap3A_233] {strides = array<i32>} : memref<10016xf32, #tpu.memory_space<vmem>>, vector<16xf32>,
        tpu.vector_store %arg18[%swap3A_233], %add3A_231 {strides = array<i32>} : memref<10016xf32, #tpu.memory_space<vmem>>, vector<16xf32>,
      }
      %scan3A_179 = arith.constant 5 : i32
      %add3A_180 = arith.constant 4 : i32
      %add3A_181 = arith.addi %add3A_161, %add3A_180 : i32
      %lt3A_182 = arith.constant 125 : i32
      %lt3A_183 = arith.cmpi slt, %add3A_181, %lt3A_182 : i32
      %convert_element_type3A_184 = arith.extui %lt3A_183 : i1 to i32
      %cond3A_185 = arith.constant 0 : i32
      %cond3A_186 = arith.cmpi ne, %convert_element_type3A_184, %cond3A_185 : i32
      scf.if %cond3A_186 {
        %add3A_216 = arith.constant 4 : i32
        %add3A_217 = arith.addi %add3A_161, %add3A_216 : i32
        %mul3A_218 = arith.constant 80 : i32
        %mul3A_219 = arith.muli %add3A_217, %mul3A_218 : i32
        %dma_start3A_220 = tpu.memref_slice %arg7[%mul3A_219] : memref<10000xi32, #tpu.memory_space<vmem>> -> memref<80xi32, #tpu.memory_space<vmem>>
        %dma_start3A_221 = arith.constant 0 : i32
        %dma_start3A_222 = arith.constant 0 : i32
        %dma_start3A_223 = tpu.memref_slice %arg2[%dma_start3A_221, %dma_start3A_222] : memref<10000x128xf32, #tpu.memory_space<hbm>> -> memref<10000x128xf32, #tpu.memory_space<hbm>>
        tpu.enqueue_indirect_dma source(%dma_start3A_223 : memref<10000x128xf32, #tpu.memory_space<hbm>>) target(%arg11 : memref<80x128xf32, #tpu.memory_space<vmem>>) offsets(%dma_start3A_220 : memref<80xi32, #tpu.memory_space<vmem>>) semaphore(%arg22 : memref<!tpu.dma_semaphore, #tpu.memory_space<semaphore_mem>>)
        %dma_start3A_224 = tpu.memref_slice %arg8[%mul3A_219] : memref<10000xi32, #tpu.memory_space<vmem>> -> memref<80xi32, #tpu.memory_space<vmem>>
        %dma_start3A_225 = arith.constant 0 : i32
        %dma_start3A_226 = arith.constant 0 : i32
        %dma_start3A_227 = tpu.memref_slice %arg2[%dma_start3A_225, %dma_start3A_226] : memref<10000x128xf32, #tpu.memory_space<hbm>> -> memref<10000x128xf32, #tpu.memory_space<hbm>>
        tpu.enqueue_indirect_dma source(%dma_start3A_227 : memref<10000x128xf32, #tpu.memory_space<hbm>>) target(%arg15 : memref<80x128xf32, #tpu.memory_space<vmem>>) offsets(%dma_start3A_224 : memref<80xi32, #tpu.memory_space<vmem>>) semaphore(%arg22 : memref<!tpu.dma_semaphore, #tpu.memory_space<semaphore_mem>>)
      } else {
      }
      %mul3A_187 = arith.constant 4 : i32
      %mul3A_188 = arith.muli %mul3A_187, %scan3A_102 : i32
      %add3A_189 = arith.constant 3 : i32
      %add3A_190 = arith.addi %mul3A_188, %add3A_189 : i32
      %mul3A_191 = arith.constant 80 : i32
      %mul3A_192 = arith.muli %add3A_190, %mul3A_191 : i32
      %dma_wait3A_193 = tpu.memref_slice %arg7[%mul3A_192] : memref<10000xi32, #tpu.memory_space<vmem>> -> memref<80xi32, #tpu.memory_space<vmem>>
      %dma_wait3A_194 = arith.constant 0 : i32
      %dma_wait3A_195 = arith.constant 0 : i32
      %dma_wait3A_196 = tpu.memref_slice %arg2[%dma_wait3A_194, %dma_wait3A_195] : memref<10000x128xf32, #tpu.memory_space<hbm>> -> memref<10000x128xf32, #tpu.memory_space<hbm>>
      tpu.wait_indirect_dma semaphore(%arg23 : memref<!tpu.dma_semaphore, #tpu.memory_space<semaphore_mem>>) src(%dma_wait3A_196 : memref<10000x128xf32, #tpu.memory_space<hbm>>) dst(%arg12 : memref<80x128xf32, #tpu.memory_space<vmem>>)
      %dma_wait3A_197 = tpu.memref_slice %arg8[%mul3A_192] : memref<10000xi32, #tpu.memory_space<vmem>> -> memref<80xi32, #tpu.memory_space<vmem>>
      %dma_wait3A_198 = arith.constant 0 : i32
      %dma_wait3A_199 = arith.constant 0 : i32
      %dma_wait3A_200 = tpu.memref_slice %arg2[%dma_wait3A_198, %dma_wait3A_199] : memref<10000x128xf32, #tpu.memory_space<hbm>> -> memref<10000x128xf32, #tpu.memory_space<hbm>>
      tpu.wait_indirect_dma semaphore(%arg23 : memref<!tpu.dma_semaphore, #tpu.memory_space<semaphore_mem>>) src(%dma_wait3A_200 : memref<10000x128xf32, #tpu.memory_space<hbm>>) dst(%arg16 : memref<80x128xf32, #tpu.memory_space<vmem>>)
      %mul3A_201 = arith.constant 80 : i32
      %mul3A_202 = arith.muli %add3A_190, %mul3A_201 : i32
      %scan3A_203 = arith.constant 0 : i32
      %scan3A_204 = arith.constant 0 : i32
      %scan3A_205 = arith.constant 5 : i32
      %scan3A_206 = arith.addi %scan3A_204, %scan3A_205 : i32
      %scan3A_207 = arith.constant 1 : i32
      scf.for %scan3A_216 = %scan3A_204 to %scan3A_206 step %scan3A_207  : i32 {
        %mul3A_217 = arith.constant 16 : i32
        %mul3A_218 = arith.muli %scan3A_216, %mul3A_217 : i32
        %broadcast_in_dim3A = arith.constant 0.000000e+00 : f32
        %broadcast_in_dim3A_219 = vector.broadcast %broadcast_in_dim3A : f32 to vector<16xf32>
        %scan3A_220 = arith.constant 0 : i32
        %scan3A_221 = arith.constant 8 : i32
        %scan3A_222 = arith.addi %scan3A_220, %scan3A_221 : i32
        %scan3A_223 = arith.constant 1 : i32
        %scan3A_224 = scf.for %scan3A_235 = %scan3A_220 to %scan3A_222 step %scan3A_223 iter_args(%scan3A_236 = %broadcast_in_dim3A_219) -> (vector<16xf32>)  : i32 {
          %mul3A_237 = arith.constant 2 : i32
          %mul3A_238 = arith.muli %scan3A_235, %mul3A_237 : i32
          %add3A_239 = arith.constant 0 : i32
          %add3A_240 = arith.addi %mul3A_238, %add3A_239 : i32
          %add3A_241 = arith.addi %mul3A_218, %add3A_240 : i32
          %get3A_242 = arith.index_cast %add3A_241 : i32 to index
          %get3A_243 = arith.constant 0 : index
          %get3A_244 = tpu.vector_load %arg12[%get3A_242, %get3A_243] {strides = array<i32>} : memref<80x128xf32, #tpu.memory_space<vmem>>, vector<16xf32>,
          %get3A_245 = arith.index_cast %add3A_241 : i32 to index
          %get3A_246 = arith.constant 0 : index
          %get3A_247 = tpu.vector_load %arg16[%get3A_245, %get3A_246] {strides = array<i32>} : memref<80x128xf32, #tpu.memory_space<vmem>>, vector<16xf32>,
          %mul3A_248 = arith.mulf %get3A_244, %get3A_247 : vector<16xf32>
          %get3A_249 = arith.index_cast %add3A_241 : i32 to index
          %get3A_250 = arith.constant 16 : index
          %get3A_251 = tpu.vector_load %arg12[%get3A_249, %get3A_250] {strides = array<i32>} : memref<80x128xf32, #tpu.memory_space<vmem>>, vector<16xf32>,
          %get3A_252 = arith.index_cast %add3A_241 : i32 to index
          %get3A_253 = arith.constant 16 : index
          %get3A_254 = tpu.vector_load %arg16[%get3A_252, %get3A_253] {strides = array<i32>} : memref<80x128xf32, #tpu.memory_space<vmem>>, vector<16xf32>,
          %mul3A_255 = arith.mulf %get3A_251, %get3A_254 : vector<16xf32>
          %get3A_256 = arith.index_cast %add3A_241 : i32 to index
          %get3A_257 = arith.constant 32 : index
          %get3A_258 = tpu.vector_load %arg12[%get3A_256, %get3A_257] {strides = array<i32>} : memref<80x128xf32, #tpu.memory_space<vmem>>, vector<16xf32>,
          %get3A_259 = arith.index_cast %add3A_241 : i32 to index
          %get3A_260 = arith.constant 32 : index
          %get3A_261 = tpu.vector_load %arg16[%get3A_259, %get3A_260] {strides = array<i32>} : memref<80x128xf32, #tpu.memory_space<vmem>>, vector<16xf32>,
          %mul3A_262 = arith.mulf %get3A_258, %get3A_261 : vector<16xf32>
          %add3A_263 = arith.addf %mul3A_248, %mul3A_262 : vector<16xf32>
          %get3A_264 = arith.index_cast %add3A_241 : i32 to index
          %get3A_265 = arith.constant 48 : index
          %get3A_266 = tpu.vector_load %arg12[%get3A_264, %get3A_265] {strides = array<i32>} : memref<80x128xf32, #tpu.memory_space<vmem>>, vector<16xf32>,
          %get3A_267 = arith.index_cast %add3A_241 : i32 to index
          %get3A_268 = arith.constant 48 : index
          %get3A_269 = tpu.vector_load %arg16[%get3A_267, %get3A_268] {strides = array<i32>} : memref<80x128xf32, #tpu.memory_space<vmem>>, vector<16xf32>,
          %mul3A_270 = arith.mulf %get3A_266, %get3A_269 : vector<16xf32>
          %add3A_271 = arith.addf %mul3A_255, %mul3A_270 : vector<16xf32>
          %get3A_272 = arith.index_cast %add3A_241 : i32 to index
          %get3A_273 = arith.constant 64 : index
          %get3A_274 = tpu.vector_load %arg12[%get3A_272, %get3A_273] {strides = array<i32>} : memref<80x128xf32, #tpu.memory_space<vmem>>, vector<16xf32>,
          %get3A_275 = arith.index_cast %add3A_241 : i32 to index
          %get3A_276 = arith.constant 64 : index
          %get3A_277 = tpu.vector_load %arg16[%get3A_275, %get3A_276] {strides = array<i32>} : memref<80x128xf32, #tpu.memory_space<vmem>>, vector<16xf32>,
          %mul3A_278 = arith.mulf %get3A_274, %get3A_277 : vector<16xf32>
          %add3A_279 = arith.addf %add3A_263, %mul3A_278 : vector<16xf32>
          %get3A_280 = arith.index_cast %add3A_241 : i32 to index
          %get3A_281 = arith.constant 80 : index
          %get3A_282 = tpu.vector_load %arg12[%get3A_280, %get3A_281] {strides = array<i32>} : memref<80x128xf32, #tpu.memory_space<vmem>>, vector<16xf32>,
          %get3A_283 = arith.index_cast %add3A_241 : i32 to index
          %get3A_284 = arith.constant 80 : index
          %get3A_285 = tpu.vector_load %arg16[%get3A_283, %get3A_284] {strides = array<i32>} : memref<80x128xf32, #tpu.memory_space<vmem>>, vector<16xf32>,
          %mul3A_286 = arith.mulf %get3A_282, %get3A_285 : vector<16xf32>
          %add3A_287 = arith.addf %add3A_271, %mul3A_286 : vector<16xf32>
          %get3A_288 = arith.index_cast %add3A_241 : i32 to index
          %get3A_289 = arith.constant 96 : index
          %get3A_290 = tpu.vector_load %arg12[%get3A_288, %get3A_289] {strides = array<i32>} : memref<80x128xf32, #tpu.memory_space<vmem>>, vector<16xf32>,
          %get3A_291 = arith.index_cast %add3A_241 : i32 to index
          %get3A_292 = arith.constant 96 : index
          %get3A_293 = tpu.vector_load %arg16[%get3A_291, %get3A_292] {strides = array<i32>} : memref<80x128xf32, #tpu.memory_space<vmem>>, vector<16xf32>,
          %mul3A_294 = arith.mulf %get3A_290, %get3A_293 : vector<16xf32>
          %add3A_295 = arith.addf %add3A_279, %mul3A_294 : vector<16xf32>
          %get3A_296 = arith.index_cast %add3A_241 : i32 to index
          %get3A_297 = arith.constant 112 : index
          %get3A_298 = tpu.vector_load %arg12[%get3A_296, %get3A_297] {strides = array<i32>} : memref<80x128xf32, #tpu.memory_space<vmem>>, vector<16xf32>,
          %get3A_299 = arith.index_cast %add3A_241 : i32 to index
          %get3A_300 = arith.constant 112 : index
          %get3A_301 = tpu.vector_load %arg16[%get3A_299, %get3A_300] {strides = array<i32>} : memref<80x128xf32, #tpu.memory_space<vmem>>, vector<16xf32>,
          %mul3A_302 = arith.mulf %get3A_298, %get3A_301 : vector<16xf32>
          %add3A_303 = arith.addf %add3A_287, %mul3A_302 : vector<16xf32>
          %add3A_304 = arith.addf %add3A_295, %add3A_303 : vector<16xf32>
          %broadcast_in_dim3A_305 = vector.shape_cast %and3A_9 : vector<16xi32> to vector<16x1xi32>
          %gather3A = vector.shape_cast %broadcast_in_dim3A_305 : vector<16x1xi32> to vector<16xi32>
          %gather3A_306 = tpu.dynamic_gather %add3A_304[%gather3A] in [0] : vector<16xf32>, vector<16xi32> -> vector<16xf32>
          %add3A_307 = arith.addf %add3A_304, %gather3A_306 : vector<16xf32>
          %broadcast_in_dim3A_308 = vector.shape_cast %and3A_15 : vector<16xi32> to vector<16x1xi32>
          %gather3A_309 = vector.shape_cast %broadcast_in_dim3A_308 : vector<16x1xi32> to vector<16xi32>
          %gather3A_310 = tpu.dynamic_gather %add3A_307[%gather3A_309] in [0] : vector<16xf32>, vector<16xi32> -> vector<16xf32>
          %add3A_311 = arith.addf %add3A_307, %gather3A_310 : vector<16xf32>
          %broadcast_in_dim3A_312 = vector.shape_cast %and3A_21 : vector<16xi32> to vector<16x1xi32>
          %gather3A_313 = vector.shape_cast %broadcast_in_dim3A_312 : vector<16x1xi32> to vector<16xi32>
          %gather3A_314 = tpu.dynamic_gather %add3A_311[%gather3A_313] in [0] : vector<16xf32>, vector<16xi32> -> vector<16xf32>
          %add3A_315 = arith.addf %add3A_311, %gather3A_314 : vector<16xf32>
          %broadcast_in_dim3A_316 = vector.shape_cast %and3A_27 : vector<16xi32> to vector<16x1xi32>
          %gather3A_317 = vector.shape_cast %broadcast_in_dim3A_316 : vector<16x1xi32> to vector<16xi32>
          %gather3A_318 = tpu.dynamic_gather %add3A_315[%gather3A_317] in [0] : vector<16xf32>, vector<16xi32> -> vector<16xf32>
          %add3A_319 = arith.addf %add3A_315, %gather3A_318 : vector<16xf32>
          %eq3A = vector.broadcast %add3A_240 : i32 to vector<16xi32>
          %eq3A_320 = arith.cmpi eq, %iota3A, %eq3A : vector<16xi32>
          %select_n3A = arith.select %eq3A_320, %add3A_319, %scan3A_236 : vector<16xi1>, vector<16xf32>
          %mul3A_321 = arith.constant 2 : i32
          %mul3A_322 = arith.muli %scan3A_235, %mul3A_321 : i32
          %add3A_323 = arith.constant 1 : i32
          %add3A_324 = arith.addi %mul3A_322, %add3A_323 : i32
          %add3A_325 = arith.addi %mul3A_218, %add3A_324 : i32
          %get3A_326 = arith.index_cast %add3A_325 : i32 to index
          %get3A_327 = arith.constant 0 : index
          %get3A_328 = tpu.vector_load %arg12[%get3A_326, %get3A_327] {strides = array<i32>} : memref<80x128xf32, #tpu.memory_space<vmem>>, vector<16xf32>,
          %get3A_329 = arith.index_cast %add3A_325 : i32 to index
          %get3A_330 = arith.constant 0 : index
          %get3A_331 = tpu.vector_load %arg16[%get3A_329, %get3A_330] {strides = array<i32>} : memref<80x128xf32, #tpu.memory_space<vmem>>, vector<16xf32>,
          %mul3A_332 = arith.mulf %get3A_328, %get3A_331 : vector<16xf32>
          %get3A_333 = arith.index_cast %add3A_325 : i32 to index
          %get3A_334 = arith.constant 16 : index
          %get3A_335 = tpu.vector_load %arg12[%get3A_333, %get3A_334] {strides = array<i32>} : memref<80x128xf32, #tpu.memory_space<vmem>>, vector<16xf32>,
          %get3A_336 = arith.index_cast %add3A_325 : i32 to index
          %get3A_337 = arith.constant 16 : index
          %get3A_338 = tpu.vector_load %arg16[%get3A_336, %get3A_337] {strides = array<i32>} : memref<80x128xf32, #tpu.memory_space<vmem>>, vector<16xf32>,
          %mul3A_339 = arith.mulf %get3A_335, %get3A_338 : vector<16xf32>
          %get3A_340 = arith.index_cast %add3A_325 : i32 to index
          %get3A_341 = arith.constant 32 : index
          %get3A_342 = tpu.vector_load %arg12[%get3A_340, %get3A_341] {strides = array<i32>} : memref<80x128xf32, #tpu.memory_space<vmem>>, vector<16xf32>,
          %get3A_343 = arith.index_cast %add3A_325 : i32 to index
          %get3A_344 = arith.constant 32 : index
          %get3A_345 = tpu.vector_load %arg16[%get3A_343, %get3A_344] {strides = array<i32>} : memref<80x128xf32, #tpu.memory_space<vmem>>, vector<16xf32>,
          %mul3A_346 = arith.mulf %get3A_342, %get3A_345 : vector<16xf32>
          %add3A_347 = arith.addf %mul3A_332, %mul3A_346 : vector<16xf32>
          %get3A_348 = arith.index_cast %add3A_325 : i32 to index
          %get3A_349 = arith.constant 48 : index
          %get3A_350 = tpu.vector_load %arg12[%get3A_348, %get3A_349] {strides = array<i32>} : memref<80x128xf32, #tpu.memory_space<vmem>>, vector<16xf32>,
          %get3A_351 = arith.index_cast %add3A_325 : i32 to index
          %get3A_352 = arith.constant 48 : index
          %get3A_353 = tpu.vector_load %arg16[%get3A_351, %get3A_352] {strides = array<i32>} : memref<80x128xf32, #tpu.memory_space<vmem>>, vector<16xf32>,
          %mul3A_354 = arith.mulf %get3A_350, %get3A_353 : vector<16xf32>
          %add3A_355 = arith.addf %mul3A_339, %mul3A_354 : vector<16xf32>
          %get3A_356 = arith.index_cast %add3A_325 : i32 to index
          %get3A_357 = arith.constant 64 : index
          %get3A_358 = tpu.vector_load %arg12[%get3A_356, %get3A_357] {strides = array<i32>} : memref<80x128xf32, #tpu.memory_space<vmem>>, vector<16xf32>,
          %get3A_359 = arith.index_cast %add3A_325 : i32 to index
          %get3A_360 = arith.constant 64 : index
          %get3A_361 = tpu.vector_load %arg16[%get3A_359, %get3A_360] {strides = array<i32>} : memref<80x128xf32, #tpu.memory_space<vmem>>, vector<16xf32>,
          %mul3A_362 = arith.mulf %get3A_358, %get3A_361 : vector<16xf32>
          %add3A_363 = arith.addf %add3A_347, %mul3A_362 : vector<16xf32>
          %get3A_364 = arith.index_cast %add3A_325 : i32 to index
          %get3A_365 = arith.constant 80 : index
          %get3A_366 = tpu.vector_load %arg12[%get3A_364, %get3A_365] {strides = array<i32>} : memref<80x128xf32, #tpu.memory_space<vmem>>, vector<16xf32>,
          %get3A_367 = arith.index_cast %add3A_325 : i32 to index
          %get3A_368 = arith.constant 80 : index
          %get3A_369 = tpu.vector_load %arg16[%get3A_367, %get3A_368] {strides = array<i32>} : memref<80x128xf32, #tpu.memory_space<vmem>>, vector<16xf32>,
          %mul3A_370 = arith.mulf %get3A_366, %get3A_369 : vector<16xf32>
          %add3A_371 = arith.addf %add3A_355, %mul3A_370 : vector<16xf32>
          %get3A_372 = arith.index_cast %add3A_325 : i32 to index
          %get3A_373 = arith.constant 96 : index
          %get3A_374 = tpu.vector_load %arg12[%get3A_372, %get3A_373] {strides = array<i32>} : memref<80x128xf32, #tpu.memory_space<vmem>>, vector<16xf32>,
          %get3A_375 = arith.index_cast %add3A_325 : i32 to index
          %get3A_376 = arith.constant 96 : index
          %get3A_377 = tpu.vector_load %arg16[%get3A_375, %get3A_376] {strides = array<i32>} : memref<80x128xf32, #tpu.memory_space<vmem>>, vector<16xf32>,
          %mul3A_378 = arith.mulf %get3A_374, %get3A_377 : vector<16xf32>
          %add3A_379 = arith.addf %add3A_363, %mul3A_378 : vector<16xf32>
          %get3A_380 = arith.index_cast %add3A_325 : i32 to index
          %get3A_381 = arith.constant 112 : index
          %get3A_382 = tpu.vector_load %arg12[%get3A_380, %get3A_381] {strides = array<i32>} : memref<80x128xf32, #tpu.memory_space<vmem>>, vector<16xf32>,
          %get3A_383 = arith.index_cast %add3A_325 : i32 to index
          %get3A_384 = arith.constant 112 : index
          %get3A_385 = tpu.vector_load %arg16[%get3A_383, %get3A_384] {strides = array<i32>} : memref<80x128xf32, #tpu.memory_space<vmem>>, vector<16xf32>,
          %mul3A_386 = arith.mulf %get3A_382, %get3A_385 : vector<16xf32>
          %add3A_387 = arith.addf %add3A_371, %mul3A_386 : vector<16xf32>
          %add3A_388 = arith.addf %add3A_379, %add3A_387 : vector<16xf32>
          %broadcast_in_dim3A_389 = vector.shape_cast %and3A_9 : vector<16xi32> to vector<16x1xi32>
          %gather3A_390 = vector.shape_cast %broadcast_in_dim3A_389 : vector<16x1xi32> to vector<16xi32>
          %gather3A_391 = tpu.dynamic_gather %add3A_388[%gather3A_390] in [0] : vector<16xf32>, vector<16xi32> -> vector<16xf32>
          %add3A_392 = arith.addf %add3A_388, %gather3A_391 : vector<16xf32>
          %broadcast_in_dim3A_393 = vector.shape_cast %and3A_15 : vector<16xi32> to vector<16x1xi32>
          %gather3A_394 = vector.shape_cast %broadcast_in_dim3A_393 : vector<16x1xi32> to vector<16xi32>
          %gather3A_395 = tpu.dynamic_gather %add3A_392[%gather3A_394] in [0] : vector<16xf32>, vector<16xi32> -> vector<16xf32>
          %add3A_396 = arith.addf %add3A_392, %gather3A_395 : vector<16xf32>
          %broadcast_in_dim3A_397 = vector.shape_cast %and3A_21 : vector<16xi32> to vector<16x1xi32>
          %gather3A_398 = vector.shape_cast %broadcast_in_dim3A_397 : vector<16x1xi32> to vector<16xi32>
          %gather3A_399 = tpu.dynamic_gather %add3A_396[%gather3A_398] in [0] : vector<16xf32>, vector<16xi32> -> vector<16xf32>
          %add3A_400 = arith.addf %add3A_396, %gather3A_399 : vector<16xf32>
          %broadcast_in_dim3A_401 = vector.shape_cast %and3A_27 : vector<16xi32> to vector<16x1xi32>
          %gather3A_402 = vector.shape_cast %broadcast_in_dim3A_401 : vector<16x1xi32> to vector<16xi32>
          %gather3A_403 = tpu.dynamic_gather %add3A_400[%gather3A_402] in [0] : vector<16xf32>, vector<16xi32> -> vector<16xf32>
          %add3A_404 = arith.addf %add3A_400, %gather3A_403 : vector<16xf32>
          %eq3A_405 = vector.broadcast %add3A_324 : i32 to vector<16xi32>
          %eq3A_406 = arith.cmpi eq, %iota3A, %eq3A_405 : vector<16xi32>
          %select_n3A_407 = arith.select %eq3A_406, %add3A_404, %select_n3A : vector<16xi1>, vector<16xf32>
          scf.yield %select_n3A_407 : vector<16xf32>
        }
        %scan3A_225 = arith.constant 8 : i32
        %mul3A_226 = arith.mulf %scan3A_224, %get3A_30 : vector<16xf32>
        %add3A_227 = arith.addf %mul3A_226, %get3A_38 : vector<16xf32>
        %add3A_228 = arith.addi %mul3A_202, %mul3A_218 : i32
        %swap3A = arith.index_cast %add3A_228 : i32 to index
        %swap3A_229 = tpu.vector_load %arg17[%swap3A] {strides = array<i32>} : memref<10016xf32, #tpu.memory_space<vmem>>, vector<16xf32>,
        tpu.vector_store %arg17[%swap3A], %add3A_227 {strides = array<i32>} : memref<10016xf32, #tpu.memory_space<vmem>>, vector<16xf32>,
        %mul3A_230 = arith.mulf %scan3A_224, %get3A_34 : vector<16xf32>
        %add3A_231 = arith.addf %mul3A_230, %get3A_42 : vector<16xf32>
        %add3A_232 = arith.addi %mul3A_202, %mul3A_218 : i32
        %swap3A_233 = arith.index_cast %add3A_232 : i32 to index
        %swap3A_234 = tpu.vector_load %arg18[%swap3A_233] {strides = array<i32>} : memref<10016xf32, #tpu.memory_space<vmem>>, vector<16xf32>,
        tpu.vector_store %arg18[%swap3A_233], %add3A_231 {strides = array<i32>} : memref<10016xf32, #tpu.memory_space<vmem>>, vector<16xf32>,
      }
      %scan3A_208 = arith.constant 5 : i32
      %add3A_209 = arith.constant 4 : i32
      %add3A_210 = arith.addi %add3A_190, %add3A_209 : i32
      %lt3A_211 = arith.constant 125 : i32
      %lt3A_212 = arith.cmpi slt, %add3A_210, %lt3A_211 : i32
      %convert_element_type3A_213 = arith.extui %lt3A_212 : i1 to i32
      %cond3A_214 = arith.constant 0 : i32
      %cond3A_215 = arith.cmpi ne, %convert_element_type3A_213, %cond3A_214 : i32
      scf.if %cond3A_215 {
        %add3A_216 = arith.constant 4 : i32
        %add3A_217 = arith.addi %add3A_190, %add3A_216 : i32
        %mul3A_218 = arith.constant 80 : i32
        %mul3A_219 = arith.muli %add3A_217, %mul3A_218 : i32
        %dma_start3A_220 = tpu.memref_slice %arg7[%mul3A_219] : memref<10000xi32, #tpu.memory_space<vmem>> -> memref<80xi32, #tpu.memory_space<vmem>>
        %dma_start3A_221 = arith.constant 0 : i32
        %dma_start3A_222 = arith.constant 0 : i32
        %dma_start3A_223 = tpu.memref_slice %arg2[%dma_start3A_221, %dma_start3A_222] : memref<10000x128xf32, #tpu.memory_space<hbm>> -> memref<10000x128xf32, #tpu.memory_space<hbm>>
        tpu.enqueue_indirect_dma source(%dma_start3A_223 : memref<10000x128xf32, #tpu.memory_space<hbm>>) target(%arg12 : memref<80x128xf32, #tpu.memory_space<vmem>>) offsets(%dma_start3A_220 : memref<80xi32, #tpu.memory_space<vmem>>) semaphore(%arg23 : memref<!tpu.dma_semaphore, #tpu.memory_space<semaphore_mem>>)
        %dma_start3A_224 = tpu.memref_slice %arg8[%mul3A_219] : memref<10000xi32, #tpu.memory_space<vmem>> -> memref<80xi32, #tpu.memory_space<vmem>>
        %dma_start3A_225 = arith.constant 0 : i32
        %dma_start3A_226 = arith.constant 0 : i32
        %dma_start3A_227 = tpu.memref_slice %arg2[%dma_start3A_225, %dma_start3A_226] : memref<10000x128xf32, #tpu.memory_space<hbm>> -> memref<10000x128xf32, #tpu.memory_space<hbm>>
        tpu.enqueue_indirect_dma source(%dma_start3A_227 : memref<10000x128xf32, #tpu.memory_space<hbm>>) target(%arg16 : memref<80x128xf32, #tpu.memory_space<vmem>>) offsets(%dma_start3A_224 : memref<80xi32, #tpu.memory_space<vmem>>) semaphore(%arg23 : memref<!tpu.dma_semaphore, #tpu.memory_space<semaphore_mem>>)
      } else {
      }
    }
    %scan3A_86 = arith.constant 31 : i32
    %dma_wait3A = arith.constant 9920 : i32
    %dma_wait3A_87 = tpu.memref_slice %arg7[%dma_wait3A] : memref<10000xi32, #tpu.memory_space<vmem>> -> memref<80xi32, #tpu.memory_space<vmem>>
    %dma_wait3A_88 = arith.constant 0 : i32
    %dma_wait3A_89 = arith.constant 0 : i32
    %dma_wait3A_90 = tpu.memref_slice %arg2[%dma_wait3A_88, %dma_wait3A_89] : memref<10000x128xf32, #tpu.memory_space<hbm>> -> memref<10000x128xf32, #tpu.memory_space<hbm>>
    tpu.wait_indirect_dma semaphore(%arg20 : memref<!tpu.dma_semaphore, #tpu.memory_space<semaphore_mem>>) src(%dma_wait3A_90 : memref<10000x128xf32, #tpu.memory_space<hbm>>) dst(%arg9 : memref<80x128xf32, #tpu.memory_space<vmem>>)
    %dma_wait3A_91 = arith.constant 9920 : i32
    %dma_wait3A_92 = tpu.memref_slice %arg8[%dma_wait3A_91] : memref<10000xi32, #tpu.memory_space<vmem>> -> memref<80xi32, #tpu.memory_space<vmem>>
    %dma_wait3A_93 = arith.constant 0 : i32
    %dma_wait3A_94 = arith.constant 0 : i32
    %dma_wait3A_95 = tpu.memref_slice %arg2[%dma_wait3A_93, %dma_wait3A_94] : memref<10000x128xf32, #tpu.memory_space<hbm>> -> memref<10000x128xf32, #tpu.memory_space<hbm>>
    tpu.wait_indirect_dma semaphore(%arg20 : memref<!tpu.dma_semaphore, #tpu.memory_space<semaphore_mem>>) src(%dma_wait3A_95 : memref<10000x128xf32, #tpu.memory_space<hbm>>) dst(%arg13 : memref<80x128xf32, #tpu.memory_space<vmem>>)
    %scan3A_96 = arith.constant 0 : i32
    %scan3A_97 = arith.constant 0 : i32
    %scan3A_98 = arith.constant 5 : i32
    %scan3A_99 = arith.addi %scan3A_97, %scan3A_98 : i32
    %scan3A_100 = arith.constant 1 : i32
    scf.for %scan3A_102 = %scan3A_97 to %scan3A_99 step %scan3A_100  : i32 {
      %mul3A_103 = arith.constant 16 : i32
      %mul3A_104 = arith.muli %scan3A_102, %mul3A_103 : i32
      %broadcast_in_dim3A = arith.constant 0.000000e+00 : f32
      %broadcast_in_dim3A_105 = vector.broadcast %broadcast_in_dim3A : f32 to vector<16xf32>
      %scan3A_106 = arith.constant 0 : i32
      %scan3A_107 = arith.constant 8 : i32
      %scan3A_108 = arith.addi %scan3A_106, %scan3A_107 : i32
      %scan3A_109 = arith.constant 1 : i32
      %scan3A_110 = scf.for %scan3A_123 = %scan3A_106 to %scan3A_108 step %scan3A_109 iter_args(%scan3A_124 = %broadcast_in_dim3A_105) -> (vector<16xf32>)  : i32 {
        %mul3A_125 = arith.constant 2 : i32
        %mul3A_126 = arith.muli %scan3A_123, %mul3A_125 : i32
        %add3A_127 = arith.constant 0 : i32
        %add3A_128 = arith.addi %mul3A_126, %add3A_127 : i32
        %add3A_129 = arith.addi %mul3A_104, %add3A_128 : i32
        %get3A_130 = arith.index_cast %add3A_129 : i32 to index
        %get3A_131 = arith.constant 0 : index
        %get3A_132 = tpu.vector_load %arg9[%get3A_130, %get3A_131] {strides = array<i32>} : memref<80x128xf32, #tpu.memory_space<vmem>>, vector<16xf32>,
        %get3A_133 = arith.index_cast %add3A_129 : i32 to index
        %get3A_134 = arith.constant 0 : index
        %get3A_135 = tpu.vector_load %arg13[%get3A_133, %get3A_134] {strides = array<i32>} : memref<80x128xf32, #tpu.memory_space<vmem>>, vector<16xf32>,
        %mul3A_136 = arith.mulf %get3A_132, %get3A_135 : vector<16xf32>
        %get3A_137 = arith.index_cast %add3A_129 : i32 to index
        %get3A_138 = arith.constant 16 : index
        %get3A_139 = tpu.vector_load %arg9[%get3A_137, %get3A_138] {strides = array<i32>} : memref<80x128xf32, #tpu.memory_space<vmem>>, vector<16xf32>,
        %get3A_140 = arith.index_cast %add3A_129 : i32 to index
        %get3A_141 = arith.constant 16 : index
        %get3A_142 = tpu.vector_load %arg13[%get3A_140, %get3A_141] {strides = array<i32>} : memref<80x128xf32, #tpu.memory_space<vmem>>, vector<16xf32>,
        %mul3A_143 = arith.mulf %get3A_139, %get3A_142 : vector<16xf32>
        %get3A_144 = arith.index_cast %add3A_129 : i32 to index
        %get3A_145 = arith.constant 32 : index
        %get3A_146 = tpu.vector_load %arg9[%get3A_144, %get3A_145] {strides = array<i32>} : memref<80x128xf32, #tpu.memory_space<vmem>>, vector<16xf32>,
        %get3A_147 = arith.index_cast %add3A_129 : i32 to index
        %get3A_148 = arith.constant 32 : index
        %get3A_149 = tpu.vector_load %arg13[%get3A_147, %get3A_148] {strides = array<i32>} : memref<80x128xf32, #tpu.memory_space<vmem>>, vector<16xf32>,
        %mul3A_150 = arith.mulf %get3A_146, %get3A_149 : vector<16xf32>
        %add3A_151 = arith.addf %mul3A_136, %mul3A_150 : vector<16xf32>
        %get3A_152 = arith.index_cast %add3A_129 : i32 to index
        %get3A_153 = arith.constant 48 : index
        %get3A_154 = tpu.vector_load %arg9[%get3A_152, %get3A_153] {strides = array<i32>} : memref<80x128xf32, #tpu.memory_space<vmem>>, vector<16xf32>,
        %get3A_155 = arith.index_cast %add3A_129 : i32 to index
        %get3A_156 = arith.constant 48 : index
        %get3A_157 = tpu.vector_load %arg13[%get3A_155, %get3A_156] {strides = array<i32>} : memref<80x128xf32, #tpu.memory_space<vmem>>, vector<16xf32>,
        %mul3A_158 = arith.mulf %get3A_154, %get3A_157 : vector<16xf32>
        %add3A_159 = arith.addf %mul3A_143, %mul3A_158 : vector<16xf32>
        %get3A_160 = arith.index_cast %add3A_129 : i32 to index
        %get3A_161 = arith.constant 64 : index
        %get3A_162 = tpu.vector_load %arg9[%get3A_160, %get3A_161] {strides = array<i32>} : memref<80x128xf32, #tpu.memory_space<vmem>>, vector<16xf32>,
        %get3A_163 = arith.index_cast %add3A_129 : i32 to index
        %get3A_164 = arith.constant 64 : index
        %get3A_165 = tpu.vector_load %arg13[%get3A_163, %get3A_164] {strides = array<i32>} : memref<80x128xf32, #tpu.memory_space<vmem>>, vector<16xf32>,
        %mul3A_166 = arith.mulf %get3A_162, %get3A_165 : vector<16xf32>
        %add3A_167 = arith.addf %add3A_151, %mul3A_166 : vector<16xf32>
        %get3A_168 = arith.index_cast %add3A_129 : i32 to index
        %get3A_169 = arith.constant 80 : index
        %get3A_170 = tpu.vector_load %arg9[%get3A_168, %get3A_169] {strides = array<i32>} : memref<80x128xf32, #tpu.memory_space<vmem>>, vector<16xf32>,
        %get3A_171 = arith.index_cast %add3A_129 : i32 to index
        %get3A_172 = arith.constant 80 : index
        %get3A_173 = tpu.vector_load %arg13[%get3A_171, %get3A_172] {strides = array<i32>} : memref<80x128xf32, #tpu.memory_space<vmem>>, vector<16xf32>,
        %mul3A_174 = arith.mulf %get3A_170, %get3A_173 : vector<16xf32>
        %add3A_175 = arith.addf %add3A_159, %mul3A_174 : vector<16xf32>
        %get3A_176 = arith.index_cast %add3A_129 : i32 to index
        %get3A_177 = arith.constant 96 : index
        %get3A_178 = tpu.vector_load %arg9[%get3A_176, %get3A_177] {strides = array<i32>} : memref<80x128xf32, #tpu.memory_space<vmem>>, vector<16xf32>,
        %get3A_179 = arith.index_cast %add3A_129 : i32 to index
        %get3A_180 = arith.constant 96 : index
        %get3A_181 = tpu.vector_load %arg13[%get3A_179, %get3A_180] {strides = array<i32>} : memref<80x128xf32, #tpu.memory_space<vmem>>, vector<16xf32>,
        %mul3A_182 = arith.mulf %get3A_178, %get3A_181 : vector<16xf32>
        %add3A_183 = arith.addf %add3A_167, %mul3A_182 : vector<16xf32>
        %get3A_184 = arith.index_cast %add3A_129 : i32 to index
        %get3A_185 = arith.constant 112 : index
        %get3A_186 = tpu.vector_load %arg9[%get3A_184, %get3A_185] {strides = array<i32>} : memref<80x128xf32, #tpu.memory_space<vmem>>, vector<16xf32>,
        %get3A_187 = arith.index_cast %add3A_129 : i32 to index
        %get3A_188 = arith.constant 112 : index
        %get3A_189 = tpu.vector_load %arg13[%get3A_187, %get3A_188] {strides = array<i32>} : memref<80x128xf32, #tpu.memory_space<vmem>>, vector<16xf32>,
        %mul3A_190 = arith.mulf %get3A_186, %get3A_189 : vector<16xf32>
        %add3A_191 = arith.addf %add3A_175, %mul3A_190 : vector<16xf32>
        %add3A_192 = arith.addf %add3A_183, %add3A_191 : vector<16xf32>
        %broadcast_in_dim3A_193 = vector.shape_cast %and3A_9 : vector<16xi32> to vector<16x1xi32>
        %gather3A = vector.shape_cast %broadcast_in_dim3A_193 : vector<16x1xi32> to vector<16xi32>
        %gather3A_194 = tpu.dynamic_gather %add3A_192[%gather3A] in [0] : vector<16xf32>, vector<16xi32> -> vector<16xf32>
        %add3A_195 = arith.addf %add3A_192, %gather3A_194 : vector<16xf32>
        %broadcast_in_dim3A_196 = vector.shape_cast %and3A_15 : vector<16xi32> to vector<16x1xi32>
        %gather3A_197 = vector.shape_cast %broadcast_in_dim3A_196 : vector<16x1xi32> to vector<16xi32>
        %gather3A_198 = tpu.dynamic_gather %add3A_195[%gather3A_197] in [0] : vector<16xf32>, vector<16xi32> -> vector<16xf32>
        %add3A_199 = arith.addf %add3A_195, %gather3A_198 : vector<16xf32>
        %broadcast_in_dim3A_200 = vector.shape_cast %and3A_21 : vector<16xi32> to vector<16x1xi32>
        %gather3A_201 = vector.shape_cast %broadcast_in_dim3A_200 : vector<16x1xi32> to vector<16xi32>
        %gather3A_202 = tpu.dynamic_gather %add3A_199[%gather3A_201] in [0] : vector<16xf32>, vector<16xi32> -> vector<16xf32>
        %add3A_203 = arith.addf %add3A_199, %gather3A_202 : vector<16xf32>
        %broadcast_in_dim3A_204 = vector.shape_cast %and3A_27 : vector<16xi32> to vector<16x1xi32>
        %gather3A_205 = vector.shape_cast %broadcast_in_dim3A_204 : vector<16x1xi32> to vector<16xi32>
        %gather3A_206 = tpu.dynamic_gather %add3A_203[%gather3A_205] in [0] : vector<16xf32>, vector<16xi32> -> vector<16xf32>
        %add3A_207 = arith.addf %add3A_203, %gather3A_206 : vector<16xf32>
        %eq3A = vector.broadcast %add3A_128 : i32 to vector<16xi32>
        %eq3A_208 = arith.cmpi eq, %iota3A, %eq3A : vector<16xi32>
        %select_n3A = arith.select %eq3A_208, %add3A_207, %scan3A_124 : vector<16xi1>, vector<16xf32>
        %mul3A_209 = arith.constant 2 : i32
        %mul3A_210 = arith.muli %scan3A_123, %mul3A_209 : i32
        %add3A_211 = arith.constant 1 : i32
        %add3A_212 = arith.addi %mul3A_210, %add3A_211 : i32
        %add3A_213 = arith.addi %mul3A_104, %add3A_212 : i32
        %get3A_214 = arith.index_cast %add3A_213 : i32 to index
        %get3A_215 = arith.constant 0 : index
        %get3A_216 = tpu.vector_load %arg9[%get3A_214, %get3A_215] {strides = array<i32>} : memref<80x128xf32, #tpu.memory_space<vmem>>, vector<16xf32>,
        %get3A_217 = arith.index_cast %add3A_213 : i32 to index
        %get3A_218 = arith.constant 0 : index
        %get3A_219 = tpu.vector_load %arg13[%get3A_217, %get3A_218] {strides = array<i32>} : memref<80x128xf32, #tpu.memory_space<vmem>>, vector<16xf32>,
        %mul3A_220 = arith.mulf %get3A_216, %get3A_219 : vector<16xf32>
        %get3A_221 = arith.index_cast %add3A_213 : i32 to index
        %get3A_222 = arith.constant 16 : index
        %get3A_223 = tpu.vector_load %arg9[%get3A_221, %get3A_222] {strides = array<i32>} : memref<80x128xf32, #tpu.memory_space<vmem>>, vector<16xf32>,
        %get3A_224 = arith.index_cast %add3A_213 : i32 to index
        %get3A_225 = arith.constant 16 : index
        %get3A_226 = tpu.vector_load %arg13[%get3A_224, %get3A_225] {strides = array<i32>} : memref<80x128xf32, #tpu.memory_space<vmem>>, vector<16xf32>,
        %mul3A_227 = arith.mulf %get3A_223, %get3A_226 : vector<16xf32>
        %get3A_228 = arith.index_cast %add3A_213 : i32 to index
        %get3A_229 = arith.constant 32 : index
        %get3A_230 = tpu.vector_load %arg9[%get3A_228, %get3A_229] {strides = array<i32>} : memref<80x128xf32, #tpu.memory_space<vmem>>, vector<16xf32>,
        %get3A_231 = arith.index_cast %add3A_213 : i32 to index
        %get3A_232 = arith.constant 32 : index
        %get3A_233 = tpu.vector_load %arg13[%get3A_231, %get3A_232] {strides = array<i32>} : memref<80x128xf32, #tpu.memory_space<vmem>>, vector<16xf32>,
        %mul3A_234 = arith.mulf %get3A_230, %get3A_233 : vector<16xf32>
        %add3A_235 = arith.addf %mul3A_220, %mul3A_234 : vector<16xf32>
        %get3A_236 = arith.index_cast %add3A_213 : i32 to index
        %get3A_237 = arith.constant 48 : index
        %get3A_238 = tpu.vector_load %arg9[%get3A_236, %get3A_237] {strides = array<i32>} : memref<80x128xf32, #tpu.memory_space<vmem>>, vector<16xf32>,
        %get3A_239 = arith.index_cast %add3A_213 : i32 to index
        %get3A_240 = arith.constant 48 : index
        %get3A_241 = tpu.vector_load %arg13[%get3A_239, %get3A_240] {strides = array<i32>} : memref<80x128xf32, #tpu.memory_space<vmem>>, vector<16xf32>,
        %mul3A_242 = arith.mulf %get3A_238, %get3A_241 : vector<16xf32>
        %add3A_243 = arith.addf %mul3A_227, %mul3A_242 : vector<16xf32>
        %get3A_244 = arith.index_cast %add3A_213 : i32 to index
        %get3A_245 = arith.constant 64 : index
        %get3A_246 = tpu.vector_load %arg9[%get3A_244, %get3A_245] {strides = array<i32>} : memref<80x128xf32, #tpu.memory_space<vmem>>, vector<16xf32>,
        %get3A_247 = arith.index_cast %add3A_213 : i32 to index
        %get3A_248 = arith.constant 64 : index
        %get3A_249 = tpu.vector_load %arg13[%get3A_247, %get3A_248] {strides = array<i32>} : memref<80x128xf32, #tpu.memory_space<vmem>>, vector<16xf32>,
        %mul3A_250 = arith.mulf %get3A_246, %get3A_249 : vector<16xf32>
        %add3A_251 = arith.addf %add3A_235, %mul3A_250 : vector<16xf32>
        %get3A_252 = arith.index_cast %add3A_213 : i32 to index
        %get3A_253 = arith.constant 80 : index
        %get3A_254 = tpu.vector_load %arg9[%get3A_252, %get3A_253] {strides = array<i32>} : memref<80x128xf32, #tpu.memory_space<vmem>>, vector<16xf32>,
        %get3A_255 = arith.index_cast %add3A_213 : i32 to index
        %get3A_256 = arith.constant 80 : index
        %get3A_257 = tpu.vector_load %arg13[%get3A_255, %get3A_256] {strides = array<i32>} : memref<80x128xf32, #tpu.memory_space<vmem>>, vector<16xf32>,
        %mul3A_258 = arith.mulf %get3A_254, %get3A_257 : vector<16xf32>
        %add3A_259 = arith.addf %add3A_243, %mul3A_258 : vector<16xf32>
        %get3A_260 = arith.index_cast %add3A_213 : i32 to index
        %get3A_261 = arith.constant 96 : index
        %get3A_262 = tpu.vector_load %arg9[%get3A_260, %get3A_261] {strides = array<i32>} : memref<80x128xf32, #tpu.memory_space<vmem>>, vector<16xf32>,
        %get3A_263 = arith.index_cast %add3A_213 : i32 to index
        %get3A_264 = arith.constant 96 : index
        %get3A_265 = tpu.vector_load %arg13[%get3A_263, %get3A_264] {strides = array<i32>} : memref<80x128xf32, #tpu.memory_space<vmem>>, vector<16xf32>,
        %mul3A_266 = arith.mulf %get3A_262, %get3A_265 : vector<16xf32>
        %add3A_267 = arith.addf %add3A_251, %mul3A_266 : vector<16xf32>
        %get3A_268 = arith.index_cast %add3A_213 : i32 to index
        %get3A_269 = arith.constant 112 : index
        %get3A_270 = tpu.vector_load %arg9[%get3A_268, %get3A_269] {strides = array<i32>} : memref<80x128xf32, #tpu.memory_space<vmem>>, vector<16xf32>,
        %get3A_271 = arith.index_cast %add3A_213 : i32 to index
        %get3A_272 = arith.constant 112 : index
        %get3A_273 = tpu.vector_load %arg13[%get3A_271, %get3A_272] {strides = array<i32>} : memref<80x128xf32, #tpu.memory_space<vmem>>, vector<16xf32>,
        %mul3A_274 = arith.mulf %get3A_270, %get3A_273 : vector<16xf32>
        %add3A_275 = arith.addf %add3A_259, %mul3A_274 : vector<16xf32>
        %add3A_276 = arith.addf %add3A_267, %add3A_275 : vector<16xf32>
        %broadcast_in_dim3A_277 = vector.shape_cast %and3A_9 : vector<16xi32> to vector<16x1xi32>
        %gather3A_278 = vector.shape_cast %broadcast_in_dim3A_277 : vector<16x1xi32> to vector<16xi32>
        %gather3A_279 = tpu.dynamic_gather %add3A_276[%gather3A_278] in [0] : vector<16xf32>, vector<16xi32> -> vector<16xf32>
        %add3A_280 = arith.addf %add3A_276, %gather3A_279 : vector<16xf32>
        %broadcast_in_dim3A_281 = vector.shape_cast %and3A_15 : vector<16xi32> to vector<16x1xi32>
        %gather3A_282 = vector.shape_cast %broadcast_in_dim3A_281 : vector<16x1xi32> to vector<16xi32>
        %gather3A_283 = tpu.dynamic_gather %add3A_280[%gather3A_282] in [0] : vector<16xf32>, vector<16xi32> -> vector<16xf32>
        %add3A_284 = arith.addf %add3A_280, %gather3A_283 : vector<16xf32>
        %broadcast_in_dim3A_285 = vector.shape_cast %and3A_21 : vector<16xi32> to vector<16x1xi32>
        %gather3A_286 = vector.shape_cast %broadcast_in_dim3A_285 : vector<16x1xi32> to vector<16xi32>
        %gather3A_287 = tpu.dynamic_gather %add3A_284[%gather3A_286] in [0] : vector<16xf32>, vector<16xi32> -> vector<16xf32>
        %add3A_288 = arith.addf %add3A_284, %gather3A_287 : vector<16xf32>
        %broadcast_in_dim3A_289 = vector.shape_cast %and3A_27 : vector<16xi32> to vector<16x1xi32>
        %gather3A_290 = vector.shape_cast %broadcast_in_dim3A_289 : vector<16x1xi32> to vector<16xi32>
        %gather3A_291 = tpu.dynamic_gather %add3A_288[%gather3A_290] in [0] : vector<16xf32>, vector<16xi32> -> vector<16xf32>
        %add3A_292 = arith.addf %add3A_288, %gather3A_291 : vector<16xf32>
        %eq3A_293 = vector.broadcast %add3A_212 : i32 to vector<16xi32>
        %eq3A_294 = arith.cmpi eq, %iota3A, %eq3A_293 : vector<16xi32>
        %select_n3A_295 = arith.select %eq3A_294, %add3A_292, %select_n3A : vector<16xi1>, vector<16xf32>
        scf.yield %select_n3A_295 : vector<16xf32>
      }
      %scan3A_111 = arith.constant 8 : i32
      %mul3A_112 = arith.mulf %scan3A_110, %get3A_30 : vector<16xf32>
      %add3A_113 = arith.addf %mul3A_112, %get3A_38 : vector<16xf32>
      %add3A_114 = arith.constant 9920 : i32
      %add3A_115 = arith.addi %add3A_114, %mul3A_104 : i32
      %swap3A = arith.index_cast %add3A_115 : i32 to index
      %swap3A_116 = tpu.vector_load %arg17[%swap3A] {strides = array<i32>} : memref<10016xf32, #tpu.memory_space<vmem>>, vector<16xf32>,
      tpu.vector_store %arg17[%swap3A], %add3A_113 {strides = array<i32>} : memref<10016xf32, #tpu.memory_space<vmem>>, vector<16xf32>,
      %mul3A_117 = arith.mulf %scan3A_110, %get3A_34 : vector<16xf32>
      %add3A_118 = arith.addf %mul3A_117, %get3A_42 : vector<16xf32>
      %add3A_119 = arith.constant 9920 : i32
      %add3A_120 = arith.addi %add3A_119, %mul3A_104 : i32
      %swap3A_121 = arith.index_cast %add3A_120 : i32 to index
      %swap3A_122 = tpu.vector_load %arg18[%swap3A_121] {strides = array<i32>} : memref<10016xf32, #tpu.memory_space<vmem>>, vector<16xf32>,
      tpu.vector_store %arg18[%swap3A_121], %add3A_118 {strides = array<i32>} : memref<10016xf32, #tpu.memory_space<vmem>>, vector<16xf32>,
    }
    %scan3A_101 = arith.constant 5 : i32
    "tpu.region"() ({
      %run_scoped3A = tpu.sem_alloc : memref<!tpu.dma_semaphore, #tpu.memory_space<semaphore_mem>>
      %dma_start3A_102 = arith.constant 0 : i32
      %dma_start3A_103 = tpu.memref_slice %arg17[%dma_start3A_102] : memref<10016xf32, #tpu.memory_space<vmem>> -> memref<10000xf32, #tpu.memory_space<vmem>>
      %dma_start3A_104 = tpu.memref_slice %arg5[%mul3A_2] : memref<320000xf32, #tpu.memory_space<hbm>> -> memref<10000xf32, #tpu.memory_space<hbm>>
      %dma_start3A_105 = tpu.memref_slice %arg5[%mul3A_2] : memref<320000xf32, #tpu.memory_space<hbm>> -> memref<10000xf32, #tpu.memory_space<hbm>>
      %dma_start3A_106 = arith.constant 0 : i32
      %dma_start3A_107 = tpu.memref_slice %arg17[%dma_start3A_106] : memref<10016xf32, #tpu.memory_space<vmem>> -> memref<10000xf32, #tpu.memory_space<vmem>>
      tpu.enqueue_dma source(%dma_start3A_107 : memref<10000xf32, #tpu.memory_space<vmem>>) target(%dma_start3A_105 : memref<10000xf32, #tpu.memory_space<hbm>>) target_semaphore(%run_scoped3A : memref<!tpu.dma_semaphore, #tpu.memory_space<semaphore_mem>>)
      %dma_wait3A_108 = arith.constant 0 : i32
      %dma_wait3A_109 = tpu.memref_slice %arg17[%dma_wait3A_108] : memref<10016xf32, #tpu.memory_space<vmem>> -> memref<10000xf32, #tpu.memory_space<vmem>>
      %dma_wait3A_110 = tpu.memref_slice %arg5[%mul3A_2] : memref<320000xf32, #tpu.memory_space<hbm>> -> memref<10000xf32, #tpu.memory_space<hbm>>
      %dma_wait3A_111 = tpu.memref_slice %arg5[%mul3A_2] : memref<320000xf32, #tpu.memory_space<hbm>> -> memref<10000xf32, #tpu.memory_space<hbm>>
      %dma_wait3A_112 = arith.constant 0 : i32
      %dma_wait3A_113 = tpu.memref_slice %arg17[%dma_wait3A_112] : memref<10016xf32, #tpu.memory_space<vmem>> -> memref<10000xf32, #tpu.memory_space<vmem>>
      tpu.wait_dma2 semaphore(%run_scoped3A : memref<!tpu.dma_semaphore, #tpu.memory_space<semaphore_mem>>) src(%dma_wait3A_113 : memref<10000xf32, #tpu.memory_space<vmem>>) dst(%dma_wait3A_111 : memref<10000xf32, #tpu.memory_space<hbm>>)
      tpu.yield
    }) : () -> ()
    "tpu.region"() ({
      %run_scoped3A = tpu.sem_alloc : memref<!tpu.dma_semaphore, #tpu.memory_space<semaphore_mem>>
      %dma_start3A_102 = arith.constant 0 : i32
      %dma_start3A_103 = tpu.memref_slice %arg18[%dma_start3A_102] : memref<10016xf32, #tpu.memory_space<vmem>> -> memref<10000xf32, #tpu.memory_space<vmem>>
      %dma_start3A_104 = tpu.memref_slice %arg6[%mul3A_2] : memref<320000xf32, #tpu.memory_space<hbm>> -> memref<10000xf32, #tpu.memory_space<hbm>>
      %dma_start3A_105 = tpu.memref_slice %arg6[%mul3A_2] : memref<320000xf32, #tpu.memory_space<hbm>> -> memref<10000xf32, #tpu.memory_space<hbm>>
      %dma_start3A_106 = arith.constant 0 : i32
      %dma_start3A_107 = tpu.memref_slice %arg18[%dma_start3A_106] : memref<10016xf32, #tpu.memory_space<vmem>> -> memref<10000xf32, #tpu.memory_space<vmem>>
      tpu.enqueue_dma source(%dma_start3A_107 : memref<10000xf32, #tpu.memory_space<vmem>>) target(%dma_start3A_105 : memref<10000xf32, #tpu.memory_space<hbm>>) target_semaphore(%run_scoped3A : memref<!tpu.dma_semaphore, #tpu.memory_space<semaphore_mem>>)
      %dma_wait3A_108 = arith.constant 0 : i32
      %dma_wait3A_109 = tpu.memref_slice %arg18[%dma_wait3A_108] : memref<10016xf32, #tpu.memory_space<vmem>> -> memref<10000xf32, #tpu.memory_space<vmem>>
      %dma_wait3A_110 = tpu.memref_slice %arg6[%mul3A_2] : memref<320000xf32, #tpu.memory_space<hbm>> -> memref<10000xf32, #tpu.memory_space<hbm>>
      %dma_wait3A_111 = tpu.memref_slice %arg6[%mul3A_2] : memref<320000xf32, #tpu.memory_space<hbm>> -> memref<10000xf32, #tpu.memory_space<hbm>>
      %dma_wait3A_112 = arith.constant 0 : i32
      %dma_wait3A_113 = tpu.memref_slice %arg18[%dma_wait3A_112] : memref<10016xf32, #tpu.memory_space<vmem>> -> memref<10000xf32, #tpu.memory_space<vmem>>
      tpu.wait_dma2 semaphore(%run_scoped3A : memref<!tpu.dma_semaphore, #tpu.memory_space<semaphore_mem>>) src(%dma_wait3A_113 : memref<10000xf32, #tpu.memory_space<vmem>>) dst(%dma_wait3A_111 : memref<10000xf32, #tpu.memory_space<hbm>>)
      tpu.yield
    }) : () -> ()
    return
  }
}

</mosaic_0001>

<sc_bundles>
// kernel: kernel.3.cloned.1.call-start
scs
__scs_entry_jumppad:
0x0: {  	(pc) =	sbr.rel $0x88, $3  }
0x1: {  	(tag) =	ssettag $0x0;
	lr =	simm.s32 $0x1  }
0x2: {  	[smem:$0x3F9C] =	sst lr;
	_ =	strace $0xD0000000  }
0x3: {  	_ = 	snop  }
0x4: {  	_ = 	snop  }
0x5: {  	_ = 	snop  }
0x6: {  	_ = 	snop  }
0x7: {  	_ = 	snop  }
__scs_overlays_trampoline_lowered:
0x8: {  	[smem:$0x3FAB] =	sst s0  }
0x9: {  	[smem:$0x3FAC] =	sst s1  }
0xa: {  	[smem:$0x3FAD] =	sst s2  }
0xb: {  	[smem:$0x3FAE] =	sst s3  }
0xc: {  	[smem:$0x3FAF] =	sst s4  }
0xd: {  	[smem:$0x3FB0] =	sst s5  }
0xe: {  	[smem:$0x3FB1] =	sst s6  }
0xf: {  	[smem:$0x3FB2] =	sst s7  }
0x10: {  	[smem:$0x3FB3] =	sst s8  }
0x11: {  	[smem:$0x3FB4] =	sst s9;
	s0 =	simm.s32 @!p0 $0x0  }
0x12: {  	s1 =	sld [smem:$0x3F9A];
	s0 =	simm.s32 @p0 $0x1  }
0x13: {  	[smem:$0x3FB5] =	sst s0;
	s0 =	simm.s32 @!p1 $0x0  }
0x14: {  	s2 =	sld [smem:$0x3F99];
	s0 =	simm.s32 @p1 $0x1  }
0x15: {  	[smem:$0x3FB6] =	sst s0;
	s0 =	simm.s32 @!p2 $0x0  }
0x16: {  	s3 =	sld [smem:$0x3FDB];
	s0 =	simm.s32 @p2 $0x1  }
0x17: {  	s4 =	simm.s32 $0x1BF5;
	[smem:$0x3FB8] =	sst s0  }
0x18: {  	s0 =	sld [smem:$0x3F9B];
	_ =	swait.ge [sflag:s4], $0x0  }
0x19: {  	s7 =	sld [smem:$0x3F9C]  }
0x1a: {  	s8 =	sadd.s32 $0xFFFFE003, lr  }
0x1b: {  	s9 =	sadd.s32 $0xFFFFFEF7, lr;
	s5 =	simm.s32 $0xFFFFFFFF;
	p2 =	slt.u32 s8, $0xFFFFF086  }
0x1c: {  	p1 =	slt.u32 s9, $0xF7A;
	s5 =	simm.s32 @!p2 $0x0  }
0x1d: {  	s5 =	simm.s32 @p1 $0x1;
	p0 =	seq.s32 s7, s2  }
0x1e: {  	s7 =	smul.u32 @!p0 $0xF7A, s2;
	p2 =	seq.s32 @!p0 s5, $0x0  }
0x1f: {  	s9 =	smul.u32 $0xF7A, s1;
	s8 =	simm.s32 @!p0 $0x1BF5;
	p2 =	por !p2, p0  }
0x20: {  	[sflag:s8] =	ssyncset.s32 @!p0 $0xFFFFF086;
	s6 =	sadd.s32 @!p0 s3, s7;
	s7 =	simm.s32 @!p0 $0x108  }
0x21: {  	s3 =	sadd.s32 s3, s9;
	s6 =	sadd.s32 @!p0 $0x88, s6;
	s7 =	simm.s32 @p2 $0x1082  }
0x22: {  	[simem:s7], [sflag:s8] =	dma.local @!p0 [hbm:s6], $0xF7A  }
0x23: {  	s9 =	sor.u32 $0xD0000000, s2;
	s6 =	simm.s32 $0x108;
	_ =	swait.ge @!p0 [sflag:s8], $0x0  }
0x24: {  	s3 =	sadd.s32 $0x88, s3;
	s6 =	simm.s32 @!p1 $0x1082;
	[sflag:s4] =	ssyncset.s32 $0xFFFFF086  }
0x25: {  	[simem:s6], [sflag:s4] =	dma.local [hbm:s3], $0xF7A  }
0x26: {  	[smem:$0x3F9C] =	sst s1;
	(tag) =	ssettag s2;
	_ =	strace s9  }
0x27: {  	s1 =	sld [smem:$0x3FAC]  }
0x28: {  	s2 =	sld [smem:$0x3FAD]  }
0x29: {  	s4 =	sld [smem:$0x3FAF]  }
0x2a: {  	p0 =	seq.s32 s5, $0x0;
	s5 =	sld [smem:$0x3FB0]  }
0x2b: {  	s6 =	sld [smem:$0x3FB1]  }
0x2c: {  	s7 =	sld [smem:$0x3FB2]  }
0x2d: {  	s3 =	simm.s32 $0x108;
	s8 =	sld [smem:$0x3FB3]  }
0x2e: {  	s3 =	simm.s32 @!p0 $0x1082;
	s9 =	sld [smem:$0x3FB4]  }
0x2f: {  	lr =	sadd.s32 s0, s3;
	s0 =	sld [smem:$0x3FAB]  }
0x30: {  	s3 =	sld [smem:$0x3FAE]  }
0x31: {  	[smem:$0x3FB7] =	sst s10  }
0x32: {  	s10 =	sld [smem:$0x3FB5];
	_ =	sdelay $0x3  }
0x33: {  	p0 =	seq.s32 s10, $0x1;
	s10 =	sld [smem:$0x3FB7];
	_ =	sdelay $0x3  }
0x34: {  	[smem:$0x3FB7] =	sst s10  }
0x35: {  	s10 =	sld [smem:$0x3FB6];
	_ =	sdelay $0x3  }
0x36: {  	p1 =	seq.s32 s10, $0x1;
	s10 =	sld [smem:$0x3FB7];
	_ =	sdelay $0x3  }
0x37: {  	[smem:$0x3FB7] =	sst s10  }
0x38: {  	s10 =	sld [smem:$0x3FB8]  }
0x39: {  	_ = 	snop;
	(pc) =	sbr.ind lr, $3  }
0x3a: {  	_ = 	snop  }
0x3b: {  	_ = 	snop  }
0x3c: {  	p2 =	seq.s32 s10, $0x1;
	s10 =	sld [smem:$0x3FB7]  }
0x3d: {  	_ =	shalt  }
0x3e: {  	_ =	shalt  }
0x3f: {  	_ =	shalt  }
0x40: {  	_ =	shalt  }
0x41: {  	_ =	shalt  }
0x42: {  	_ =	shalt  }
0x43: {  	_ =	shalt  }
0x44: {  	_ =	shalt  }
0x45: {  	_ =	shalt  }
0x46: {  	_ =	shalt  }
0x47: {  	_ =	shalt  }
0x48: {  	_ =	shalt  }
0x49: {  	_ =	shalt  }
0x4a: {  	_ =	shalt  }
0x4b: {  	_ =	shalt  }
0x4c: {  	_ =	shalt  }
0x4d: {  	_ =	shalt  }
0x4e: {  	_ =	shalt  }
0x4f: {  	_ =	shalt  }
0x50: {  	_ =	shalt  }
0x51: {  	_ =	shalt  }
0x52: {  	_ =	shalt  }
0x53: {  	_ =	shalt  }
0x54: {  	_ =	shalt  }
0x55: {  	_ =	shalt  }
0x56: {  	_ =	shalt  }
0x57: {  	_ =	shalt  }
0x58: {  	_ =	shalt  }
0x59: {  	_ =	shalt  }
0x5a: {  	_ =	shalt  }
0x5b: {  	_ =	shalt  }
0x5c: {  	_ =	shalt  }
0x5d: {  	_ =	shalt  }
0x5e: {  	_ =	shalt  }
0x5f: {  	_ =	shalt  }
0x60: {  	_ =	shalt  }
0x61: {  	_ =	shalt  }
0x62: {  	_ =	shalt  }
0x63: {  	_ =	shalt  }
0x64: {  	_ =	shalt  }
0x65: {  	_ =	shalt  }
0x66: {  	_ =	shalt  }
0x67: {  	_ =	shalt  }
0x68: {  	_ =	shalt  }
0x69: {  	_ =	shalt  }
0x6a: {  	_ =	shalt  }
0x6b: {  	_ =	shalt  }
0x6c: {  	_ =	shalt  }
0x6d: {  	_ =	shalt  }
0x6e: {  	_ =	shalt  }
0x6f: {  	_ =	shalt  }
0x70: {  	_ =	shalt  }
0x71: {  	_ =	shalt  }
0x72: {  	_ =	shalt  }
0x73: {  	_ =	shalt  }
0x74: {  	_ =	shalt  }
0x75: {  	_ =	shalt  }
0x76: {  	_ =	shalt  }
0x77: {  	_ =	shalt  }
0x78: {  	_ =	shalt  }
0x79: {  	_ =	shalt  }
0x7a: {  	_ =	shalt  }
0x7b: {  	_ =	shalt  }
0x7c: {  	_ =	shalt  }
0x7d: {  	_ =	shalt  }
0x7e: {  	_ =	shalt  }
0x7f: {  	_ =	shalt  }
0x80: {  	_ =	shalt  }
0x81: {  	_ =	shalt  }
0x82: {  	_ =	shalt  }
0x83: {  	_ =	shalt  }
0x84: {  	_ =	shalt  }
0x85: {  	_ =	shalt  }
0x86: {  	_ =	shalt  }
0x87: {  	_ =	shalt  }
.Lfunc_end0:
.L_simem_size_0:
called_computation_lowered:
.L_overlay_start_0:
0x88: {  	s2 =	sld [smem:$0x3FD9]  }
0x89: {  	s3 =	sld [smem:$0x3FFE];
	_ =	sdelay $0x1  }
0x8a: {  	s1 =	srdreg.scid  }
0x8b: {  	s0 =	sand.u32 $0x1, s1  }
0x8c: {  	s14 =	sshll.u32 s0, $0xA;
	s2 =	sadd.s32 s3, s2  }
0x8d: {  	s2 =	sadd.s32 s2, s14  }
0x8e: {  	[smem:$0x3FC3] =	sst s2  }
0x8f: {  	_ = 	snop  }
0x90: {  	s2 =	sld [smem:$0x3FD0];
	_ =	sdelay $0x2  }
0x91: {  	s4 =	simm.s32 $0xA;
	s5 =	simm.s32 $0x10;
	s15 =	sld [smem:$0x3FC9]  }
0x92: {  	[smem:s5], [sflag:s4] =	dma.local [hbm:s2], $0x1  }
0x93: {  	_ =	swait.eq [sflag:s4], $0x1  }
0x94: {  	[sflag:s4] =	ssyncset.done $0x0  }
0x95: {  	s16 =	sld [smem:$0x10];
	[sflag:s4] =	ssyncadd.s32 $0xFFFFFFFF  }
0x96: {  	s17 =	sld [smem:$0x11];
	(tm) =	ssettm $0x1  }
0x97: {  	s18 =	sld [smem:$0x3FFB];
	_ =	sdelay $0x3  }
0x98: {  	_ =	strace s18  }
0x99: {  	s5 =	sld [smem:$0x3FFC];
	_ =	sdelay $0x3  }
0x9a: {  	_ =	strace s5  }
0x9b: {  	s5 =	sld [smem:$0x3FFD];
	_ =	sdelay $0x3  }
0x9c: {  	_ =	strace s5  }
0x9d: {  	_ =	strace $0x8FFFFFFF  }
0x9e: {  	s19 =	sld [smem:$0x3FDB];
	_ =	sdelay $0x1  }
0x9f: {  	s6 =	simm.s32 $_scs_section_size  }
0xa0: {  	s7 =	simm.s32 $_size__tile_overlayer_lowered;
	s8 =	simm.s32 $_tile_overlayer_lowered  }
0xa1: {  	s22 =	simm.s32 $0x1BFF;
	s21 =	sshll.u32 s8, $0x1;
	s5 =	sadd.s32 s6, s19  }
0xa2: {  	s9 =	simm.s32 $0x0;
	s20 =	sshll.u32 s7, $0x1;
	s7 =	sadd.s32 s21, s5  }
0xa3: {  	[timem:s9], [sflag:s22] =	dma.local [hbm:s7], s20  }
0xa4: {  	_ =	swait.ge [sflag:s22], s20  }
0xa5: {  	s6 =	ssub.s32 $0x0, s20;
	[sflag:s22] =	ssyncset.done $0x0  }
0xa6: {  	[sflag:s22] =	ssyncadd.s32 s6;
	_ =	sdelay $0x1  }
0xa7: {  	s23 =	simm.s32 $0x1B8B  }
0xa8: {  	_ =	swait.ge [sflag:s23], $0x1  }
0xa9: {  	[sflag:s23] =	ssyncset.done $0x0  }
0xaa: {  	s25 =	simm.s32 $0x1B8E;
	s24 =	sld [smem:$0x3FFE];
	[sflag:s23] =	ssyncadd.s32 $0xFFFFFFFF  }
0xab: {  	s26 =	simm.s32 $execute0_lowered;
	[smem:$0x3FD2] =	sst s25  }
0xac: {  	s7 =	sshll.u32 s26, $0x1;
	_ =	strace $0x80000046;
	[dreg:$0x1] =	wrdreg $0xFFFFFFFF  }
0xad: {  	s28 =	simm.s32 $_size_execute0_lowered;
	s5 =	sadd.s32 s5, s7;
	[dreg:$0x0] =	wrdreg $0x0  }
0xae: {  	s7 =	sshll.u32 s28, $0x1;
	[dreg:$0x2] =	wrdreg s5  }
0xaf: {  	[dreg:$0x3] =	wrdreg s7  }
0xb0: {  	[dreg:$0x4] =	wrdreg $0xC0  }
0xb1: {  	_ =	task [dreg:s9], $0x5FFFF  }
0xb2: {  	[dreg:$0x1] =	wrdreg $0xFFFFFFFF  }
0xb3: {  	[dreg:$0x0] =	wrdreg $0x60  }
0xb4: {  	[dreg:$0x2] =	wrdreg s15  }
0xb5: {  	[dreg:$0x3] =	wrdreg s16  }
0xb6: {  	[dreg:$0x4] =	wrdreg s24  }
0xb7: {  	[dreg:$0x5] =	wrdreg s17  }
0xb8: {  	[dreg:$0x6] =	wrdreg $0x9  }
0xb9: {  	_ =	task.clear_ibuf [dreg:s9], $0x7FFFF;
	_ =	strace $0x90000046  }
0xba: {  	s29 =	simm.s32 $0x9;
	_ =	strace $0x80000048  }
0xbb: {  	_ =	swait.ge [sflag:s29], $0x1  }
0xbc: {  	[sflag:s29] =	ssyncadd.s32 $0xFFFFFFFF  }
0xbd: {  	_ =	strace $0x90000048  }
0xbe: {  	_ =	sfence  }
0xbf: {  	s30 =	sld [smem:$0x0];
	_ =	sdelay $0x2  }
0xc0: {  	s31 =	sshll.u32 s1, $0xD;
	s1 =	sshrl.u32 s1, $0x2  }
0xc1: {  	s3 =	sand.u32 $0x4000, s31;
	s1 =	sadd.s32 s1, s30  }
0xc2: {  	s0 =	sor.u32 s3, s0;
	s1 =	sshll.u32 s1, $0x11  }
0xc3: {  	s0 =	sor.u32 s1, s0  }
0xc4: {  	s0 =	sadd.s32 $0x8F2B, s0  }
0xc5: {  	[sflag:s0] =	ssyncadd.remote.s32 $0x1  }
0xc6: {  	_ =	sfence.sel $0xFFFF  }
0xc7: {  	[dreg:$0x0] =	wrdreg $0xFFFFFFFF;
	(pc) =	sbr.abs _section_cstart, $3  }
0xc8: {  	[dreg:$0x1] =	wrdreg $0xFFFFFFFF  }
0xc9: {  	_ =	task.clear_ibuf [dreg:s9], $0x2FFFF;
	_ =	strace $0x9FFFFFFF  }
0xca: {  	(tm) =	ssettm $0x7FFFFFFF  }
0xcb: {  	_ =	shalt  }
tec
execute0_lowered:
.L_overlay_start_1:
0x0: {  	(tag) =	ssettag $0x1  }
0x1: {  	s1 =	rddreg [dreg:$0x0]  }
0x2: {  	s2 =	rddreg [dreg:$0x1]  }
0x3: {  	s0 =	srdreg.scid;
	s7 =	rddreg [dreg:$0x2];
	v0 =	vimm.s32 $0xFEDCBA98;
	v1 =	vimm.s32 $0x76543210;
	v2 =	vimm.s32 $0x3210FEDC  }
0x4: {  	s3 =	stileid.u32;
	s8 =	rddreg [dreg:$0x3];
	v3 =	vimm.s32 $0xBA987654;
	v4 =	vimm.s32 $0x10FEDCBA;
	v5 =	vimm.s32 $0x98765432  }
0x5: {  	s9 =	simm.s32 $0x2780;
	s12 =	simm.s32 $0x5;
	v6 =	vimm.s32 $0xFEDCBA9;
	v7 =	vimm.s32 $0x87654321;
	s13 =	simm.s32 $0x50  }
0x6: {  	s14 =	simm.s32 $0x4F00;
	s15 =	simm.s32 $0xEF00;
	s24 =	simm.s32 $0xC700;
	v0 =	vunpack.c.l.s4.s8 v0;
	v1 =	vunpack.c.l.s4.s8 v1;
	v2 =	vunpack.c.l.s4.s8 v2  }
0x7: {  	s28 =	simm.s32 $0x1;
	s29 =	simm.s32 $0x2;
	s30 =	simm.s32 $0x3;
	v3 =	vunpack.c.l.s4.s8 v3;
	v4 =	vunpack.c.l.s4.s8 v4;
	v5 =	vunpack.c.l.s4.s8 v5  }
0x8: {  	s31 =	simm.s32 $0x4;
	s0 =	sand.u32 $0x1, s0;
	s3 =	sshll.u32 s3, $0x1;
	v6 =	vunpack.c.l.s4.s8 v6;
	v7 =	vunpack.c.l.s4.s8 v7;
	v0 =	vunpack.c.0.s8.s32 v0  }
0x9: {  	s5 =	sadd.s32 $0x1000, s7;
	s3 =	sor.u32 s0, s3;
	s0 =	ssub.s32 $0x2, s0;
	v2 =	vunpack.c.0.s8.s32 v2;
	v3 =	vunpack.c.0.s8.s32 v3;
	v4 =	vunpack.c.0.s8.s32 v4  }
0xa: {  	s4 =	smul.u32 $0x2710, s3;
	s3 =	simm.s32 $0x0;
	s26 =	sshrl.u32 s0, $0x1;
	v5 =	vunpack.c.0.s8.s32 v5;
	v6 =	vunpack.c.0.s8.s32 v6;
	v7 =	vunpack.c.0.s8.s32 v7  }
0xb: {  	v1 =	vunpack.c.0.s8.s32 v1;
	[smem:$0x7FF] =	sst s3;
	s0 =	ssub.s32 s0, s26;
	s26 =	simm.s32 $0x16700;
	v2 =	vcombine.low v3, v2  }
0xc: {  	s10 =	sshrl.u32 s4, $0x3;
	_ =	strace $0x80000047;
	s11 =	smax.u32 s0, $0x1;
	v3 =	vcombine.low v5, v4;
	v4 =	vcombine.low v7, v6;
	v0 =	vand.u32 $0xF, v0  }
0xd: {  	s4 =	sadd.s32 s2, s10;
	s7 =	sadd.s32 s10, s7;
	s10 =	sadd.s32 s8, s10;
	v0 =	vcombine.low v0, v1;
	v1 =	vand.u32 $0xF, v2  }
0xe: {  	s8 =	simm.s32 $0x0;
	s6 =	sadd.s32 $0x9C40, s4;
	s7 =	sadd.s32 $0x1200, s7;
	v2 =	vand.u32 $0xF, v3;
	v3 =	vand.u32 $0xF, v4;
	v4 =	vlaneseq.u32  }
.LBB2_1:
0xf: {  	s0 =	simm.s32 $0x1DE00  }
0x10: {  	[tilespmem:s0], [sflag:$0x5] =	stream.linear.gather [hbm4b:s5+s3], $0x200, $0x38;
	[tilespmem:$0x1E000] =	vst v63  }
0x11: {  	_ =	swait.ge [sflag:s12], $0x200  }
0x12: {  	[sflag:s12] =	ssyncset.done $0x0  }
0x13: {  	[sflag:s12] =	ssyncadd.s32 $0xFFFFFE00  }
0x14: {  	[tilespmem:s3], [sflag:$0x5] =	stream.linear.gather [hbm4b:s4+s3], $0x2710, $0x38;
	[tilespmem:$0x1E000] =	vst v63  }
0x15: {  	_ =	swait.ge [sflag:s12], $0x2710  }
0x16: {  	[sflag:s12] =	ssyncset.done $0x0  }
0x17: {  	[sflag:s12] =	ssyncadd.s32 $0xFFFFD8F0  }
0x18: {  	[tilespmem:s9], [sflag:$0x5] =	stream.linear.gather [hbm4b:s6+s3], $0x2710, $0x38;
	[tilespmem:$0x1E000] =	vst v63  }
0x19: {  	_ =	swait.ge [sflag:s12], $0x2710  }
0x1a: {  	[sflag:s12] =	ssyncset.done $0x0  }
0x1b: {  	[sflag:s12] =	ssyncadd.s32 $0xFFFFD8F0  }
0x1c: {  	v5 =	vld [tilespmem:$0x1DE00]  }
0x1d: {  	v6 =	vld [tilespmem:$0x1DE80]  }
0x1e: {  	v7 =	vld [tilespmem:$0x1DF00]  }
0x1f: {  	v8 =	vld [tilespmem:$0x1DF80];
	[tilespmem:s14], [sflag:$0x1] =	stream.indirect.gather [hbm4b:s1+s13], $0x80, s3, s13, $0xb8  }
0x20: {  	_ = 	snop  }
0x21: {  	[tilespmem:s15], [sflag:$0x1] =	stream.indirect.gather [hbm4b:s1+s13], $0x80, s9, s13, $0xb8;
	[tilespmem:$0x1E000] =	vst v63  }
0x22: {  	s17 =	simm.s32 $0x7700  }
0x23: {  	[tilespmem:s17], [sflag:$0x2] =	stream.indirect.gather [hbm4b:s1+s13], $0x80, s13, s13, $0xb8;
	[tilespmem:$0x1E000] =	vst v63  }
0x24: {  	s18 =	simm.s32 $0x27D0;
	s2 =	simm.s32 $0x11700  }
0x25: {  	[tilespmem:s2], [sflag:$0x2] =	stream.indirect.gather [hbm4b:s1+s13], $0x80, s18, s13, $0xb8;
	[tilespmem:$0x1E000] =	vst v63  }
0x26: {  	s19 =	simm.s32 $0xA0;
	s20 =	simm.s32 $0x9F00  }
0x27: {  	[tilespmem:s20], [sflag:$0x3] =	stream.indirect.gather [hbm4b:s1+s13], $0x80, s19, s13, $0xb8;
	[tilespmem:$0x1E000] =	vst v63  }
0x28: {  	s21 =	simm.s32 $0x2820;
	s22 =	simm.s32 $0x13F00  }
0x29: {  	[tilespmem:s22], [sflag:$0x3] =	stream.indirect.gather [hbm4b:s1+s13], $0x80, s21, s13, $0xb8;
	[tilespmem:$0x1E000] =	vst v63  }
0x2a: {  	s23 =	simm.s32 $0xF0  }
0x2b: {  	[tilespmem:s24], [sflag:$0x4] =	stream.indirect.gather [hbm4b:s1+s13], $0x80, s23, s13, $0xb8;
	[tilespmem:$0x1E000] =	vst v63  }
0x2c: {  	s25 =	simm.s32 $0x2870;
	s16 =	simm.s32 $0x0  }
0x2d: {  	[tilespmem:s26], [sflag:$0x4] =	stream.indirect.gather [hbm4b:s1+s13], $0x80, s25, s13, $0xb8;
	[tilespmem:$0x1E000] =	vst v63  }
.LBB2_2:
0x2e: {  	_ =	swait.ge [sflag:s28], $0x2800  }
0x2f: {  	[sflag:s28] =	ssyncset.done $0x0  }
0x30: {  	[sflag:s28] =	ssyncadd.s32 $0xFFFFD800  }
0x31: {  	s17 =	smul.u32 $0x140, s16;
	_ =	swait.ge [sflag:s28], $0x2800  }
0x32: {  	s18 =	simm.s32 $0x0;
	[sflag:s28] =	ssyncset.done $0x0  }
0x33: {  	s23 =	simm.s32 $0xEF80;
	s2 =	simm.s32 $0x4F80;
	v9 =	vmov s17;
	[sflag:s28] =	ssyncadd.s32 $0xFFFFD800  }
.LBB2_3:
0x34: {  	v14 =	vld [tilespmem:s2+$0x60]  }
0x35: {  	v15 =	vld [tilespmem:s23+$0x60]  }
0x36: {  	v11 =	vld [tilespmem:s2+$0x70]  }
0x37: {  	v17 =	vld [tilespmem:s2+$0xFFFFFFE0]  }
0x38: {  	v18 =	vld [tilespmem:s23+$0xFFFFFFE0]  }
0x39: {  	v12 =	vld [tilespmem:s2+$0xFFFFFFF0]  }
0x3a: {  	v19 =	vld [tilespmem:s2+$0x40]  }
0x3b: {  	v20 =	vld [tilespmem:s23+$0x40]  }
0x3c: {  	v13 =	vld [tilespmem:s2+$0x50]  }
0x3d: {  	v22 =	vld [tilespmem:s2+$0xFFFFFFC0]  }
0x3e: {  	v24 =	vld [tilespmem:s23+$0xFFFFFFC0]  }
0x3f: {  	v16 =	vld [tilespmem:s2+$0xFFFFFFD0]  }
0x40: {  	v26 =	vld [tilespmem:s2+$0x0]  }
0x41: {  	v27 =	vld [tilespmem:s23+$0x0]  }
0x42: {  	v28 =	vld [tilespmem:s2+$0x10]  }
0x43: {  	v29 =	vld [tilespmem:s23+$0x10]  }
0x44: {  	v21 =	vld [tilespmem:s2+$0x20]  }
0x45: {  	v23 =	vld [tilespmem:s23+$0x20]  }
0x46: {  	v25 =	vld [tilespmem:s2+$0x30]  }
0x47: {  	v30 =	vld [tilespmem:s2+$0xFFFFFF80]  }
0x48: {  	v31 =	vld [tilespmem:s23+$0xFFFFFF80]  }
0x49: {  	v32 =	vld [tilespmem:s2+$0xFFFFFF90]  }
0x4a: {  	v34 =	vld [tilespmem:s23+$0xFFFFFF90]  }
0x4b: {  	v33 =	vld [tilespmem:s2+$0xFFFFFFA0]  }
0x4c: {  	v35 =	vld [tilespmem:s23+$0xFFFFFFA0]  }
0x4d: {  	v36 =	vld [tilespmem:s2+$0xFFFFFFB0];
	s21 =	sshll.u32 s18, $0x4;
	s25 =	simm.s32 $0x2  }
0x4e: {  	v10 =	vimm.f32 $0.0e+00;
	v37 =	vld [tilespmem:s23+$0xFFFFFFB0];
	s19 =	smov.u32 s23;
	s20 =	smov.u32 s2;
	s22 =	simm.s32 $0x0  }
.LBB2_4:
0x4f: {  	p0 =	sne.s32 s25, $0xE;
	v38 =	vmul.f32 v18, v17;
	v17 =	vld [tilespmem:s19+$0x30];
	v39 =	vmul.f32 v15, v14  }
0x50: {  	v18 =	vmul.f32 v24, v22;
	v19 =	vmul.f32 v20, v19;
	v22 =	vld [tilespmem:s19+$0xFFFFFFD0]  }
0x51: {  	v20 =	vmul.f32 v27, v26;
	v24 =	vmul.f32 v29, v28;
	v26 =	vld [tilespmem:s19+$0x50]  }
0x52: {  	v27 =	vmul.f32 v31, v30;
	v28 =	vmul.f32 v34, v32;
	v29 =	vld [tilespmem:s19+$0xFFFFFFF0]  }
0x53: {  	s20 =	sadd.s32 $0x100, s20;
	v30 =	vmul.f32 v35, v33;
	v31 =	vmul.f32 v37, v36;
	v32 =	vld [tilespmem:s19+$0x70]  }
0x54: {  	v21 =	vmul.f32 v23, v21;
	s19 =	sadd.s32 $0x100, s19;
	v14 =	vld [tilespmem:s20+$0x60];
	v17 =	vmul.f32 v17, v25  }
0x55: {  	v23 =	vadd.f32 v30, v27;
	v15 =	vld [tilespmem:s19+$0x60];
	v25 =	vadd.f32 v31, v28;
	v16 =	vmul.f32 v22, v16  }
0x56: {  	v20 =	vadd.f32 v21, v20;
	v22 =	vld [tilespmem:s20+$0x70];
	v21 =	vadd.f32 v17, v24;
	v13 =	vmul.f32 v26, v13  }
0x57: {  	v23 =	vadd.f32 v18, v23;
	v17 =	vld [tilespmem:s20+$0xFFFFFFE0];
	v16 =	vadd.f32 v16, v25;
	v24 =	vmul.f32 v29, v12  }
0x58: {  	v20 =	vadd.f32 v19, v20;
	v18 =	vld [tilespmem:s19+$0xFFFFFFE0];
	v13 =	vadd.f32 v13, v21;
	v25 =	vmul.f32 v32, v11  }
0x59: {  	v21 =	vadd.f32 v38, v23;
	v12 =	vld [tilespmem:s20+$0xFFFFFFF0];
	v16 =	vadd.f32 v24, v16  }
0x5a: {  	v23 =	vadd.f32 v39, v20;
	v19 =	vld [tilespmem:s20+$0x40];
	v24 =	vadd.f32 v25, v13  }
0x5b: {  	v20 =	vld [tilespmem:s19+$0x40];
	v21 =	vadd.f32 v16, v21;
	v11 =	vmov v22  }
0x5c: {  	v13 =	vld [tilespmem:s20+$0x50];
	v23 =	vadd.f32 v24, v23  }
0x5d: {  	v22 =	vld [tilespmem:s20+$0xFFFFFFC0];
	v25 =	vperm.xlane v21, v0  }
0x5e: {  	v24 =	vld [tilespmem:s19+$0xFFFFFFC0];
	v27 =	vperm.xlane v23, v0  }
0x5f: {  	v16 =	vld [tilespmem:s20+$0xFFFFFFD0];
	v21 =	vadd.f32 v21, v25  }
0x60: {  	v26 =	vld [tilespmem:s20+$0x0];
	v23 =	vadd.f32 v23, v27  }
0x61: {  	v27 =	vld [tilespmem:s19+$0x0];
	v25 =	vperm.xlane v21, v1  }
0x62: {  	v28 =	vld [tilespmem:s20+$0x10];
	v30 =	vperm.xlane v23, v1  }
0x63: {  	v29 =	vld [tilespmem:s19+$0x10];
	v31 =	vadd.f32 v21, v25  }
0x64: {  	v21 =	vld [tilespmem:s20+$0x20];
	v32 =	vadd.f32 v23, v30  }
0x65: {  	v23 =	vld [tilespmem:s19+$0x20];
	v33 =	vperm.xlane v31, v2  }
0x66: {  	v25 =	vld [tilespmem:s20+$0x30];
	v34 =	vperm.xlane v32, v2  }
0x67: {  	v30 =	vld [tilespmem:s20+$0xFFFFFF80];
	v35 =	vadd.f32 v31, v33  }
0x68: {  	v31 =	vld [tilespmem:s19+$0xFFFFFF80];
	v36 =	vadd.f32 v32, v34  }
0x69: {  	v32 =	vld [tilespmem:s20+$0xFFFFFF90];
	v37 =	vperm.xlane v35, v3  }
.Ltmp0:
0x6a: {  	v34 =	vld [tilespmem:s19+$0xFFFFFF90];
	v38 =	vperm.xlane v36, v3;
	(pc) =	sbr.rel @p0 .LBB2_4-.Ltmp0, $4  }
0x6b: {  	s0 =	sadd.s32 $0x1, s22;
	v39 =	vmov s22;
	s22 =	smov.u32 s25;
	v33 =	vld [tilespmem:s20+$0xFFFFFFA0];
	v37 =	vadd.f32 v35, v37  }
0x6c: {  	vm0 =	veq.s32 v39, v4;
	v39 =	vmov s0;
	v35 =	vld [tilespmem:s19+$0xFFFFFFA0];
	v38 =	vadd.f32 v36, v38  }
0x6d: {  	v36 =	vld [tilespmem:s20+$0xFFFFFFB0];
	v10 =	vsel vm0, v37, v10;
	vm0 =	veq.s32 v39, v4  }
0x6e: {  	s25 =	sadd.s32 $0x2, s25;
	v37 =	vld [tilespmem:s19+$0xFFFFFFB0];
	v10 =	vsel vm0, v38, v10  }
0x6f: {  	v17 =	vmul.f32 v18, v17;
	v47 =	vld [tilespmem:s19+$0x30];
	v14 =	vmul.f32 v15, v14  }
0x70: {  	v48 =	vmul.f32 v24, v22;
	v49 =	vld [tilespmem:s19+$0xFFFFFFD0];
	v19 =	vmul.f32 v20, v19  }
0x71: {  	v50 =	vmul.f32 v27, v26;
	v51 =	vmul.f32 v29, v28;
	v52 =	vld [tilespmem:s19+$0x50]  }
0x72: {  	v53 =	vmul.f32 v31, v30;
	v54 =	vmul.f32 v34, v32;
	v55 =	vld [tilespmem:s19+$0xFFFFFFF0]  }
0x73: {  	v58 =	vld [tilespmem:s19+$0x70];
	v56 =	vmul.f32 v35, v33;
	v57 =	vmul.f32 v37, v36  }
0x74: {  	v21 =	vmul.f32 v23, v21;
	v18 =	vmul.f32 v47, v25  }
0x75: {  	v59 =	vadd.f32 v56, v53;
	v16 =	vmul.f32 v49, v16;
	v60 =	vadd.f32 v57, v54  }
0x76: {  	v20 =	vadd.f32 v21, v50;
	v13 =	vmul.f32 v52, v13;
	v18 =	vadd.f32 v18, v51  }
0x77: {  	v12 =	vmul.f32 v55, v12;
	v15 =	vadd.f32 v48, v59;
	v16 =	vadd.f32 v16, v60  }
0x78: {  	v19 =	vadd.f32 v19, v20;
	v11 =	vmul.f32 v58, v11;
	v13 =	vadd.f32 v13, v18  }
0x79: {  	v15 =	vadd.f32 v17, v15;
	v12 =	vadd.f32 v12, v16  }
0x7a: {  	v14 =	vadd.f32 v14, v19;
	v11 =	vadd.f32 v11, v13  }
0x7b: {  	v12 =	vadd.f32 v12, v15  }
0x7c: {  	v11 =	vadd.f32 v11, v14  }
0x7d: {  	v61 =	vperm.xlane v12, v0  }
0x7e: {  	v14 =	vperm.xlane v11, v0  }
0x7f: {  	v12 =	vadd.f32 v12, v61  }
0x80: {  	v11 =	vadd.f32 v11, v14  }
0x81: {  	v13 =	vperm.xlane v12, v1  }
0x82: {  	v14 =	vperm.xlane v11, v1  }
0x83: {  	v12 =	vadd.f32 v12, v13  }
0x84: {  	v11 =	vadd.f32 v11, v14  }
0x85: {  	v13 =	vperm.xlane v12, v2  }
0x86: {  	v14 =	vperm.xlane v11, v2  }
0x87: {  	v12 =	vadd.f32 v12, v13  }
0x88: {  	v11 =	vadd.f32 v11, v14  }
0x89: {  	v13 =	vperm.xlane v12, v3  }
0x8a: {  	v14 =	vperm.xlane v11, v3  }
0x8b: {  	v62 =	vmov s22;
	s0 =	sadd.s32 $0x1, s22;
	v12 =	vadd.f32 v12, v13  }
0x8c: {  	vm0 =	veq.s32 v62, v4;
	v63 =	vmov s0;
	v11 =	vadd.f32 v11, v14  }
0x8d: {  	vm15 =	veq.s32 v63, v4;
	v10 =	vsel vm0, v12, v10  }
0x8e: {  	s18 =	sadd.s32 $0x1, s18;
	v10 =	vsel vm15, v11, v10  }
0x8f: {  	p0 =	sne.s32 s18, $0x5;
	v11 =	vmul.f32 v10, v5  }
.Ltmp1:
0x90: {  	v10 =	vmul.f32 v10, v6;
	(pc) =	sbr.rel @p0 .LBB2_3-.Ltmp1, $4  }
0x91: {  	v11 =	vadd.f32 v11, v7  }
0x92: {  	v10 =	vadd.f32 v10, v8  }
0x93: {  	[tilespmem:v9+s21+$0x18F00 ss:$0x1] =	vst.idx.msk $0xffff, v11  }
0x94: {  	s23 =	sadd.s32 $0x800, s23;
	s2 =	sadd.s32 $0x800, s2;
	[tilespmem:v9+s21+$0x1B680 ss:$0x1] =	vst.idx.msk $0xffff, v10  }
0x95: {  	s0 =	sadd.s32 $0x140, s17  }
0x96: {  	[tilespmem:s14], [sflag:$0x1] =	stream.indirect.gather [hbm4b:s1+s13], $0x80, s0, s13, $0xb8;
	[tilespmem:$0x1E000] =	vst v63  }
0x97: {  	s23 =	sadd.s32 $0x28C0, s17  }
0x98: {  	[tilespmem:s15], [sflag:$0x1] =	stream.indirect.gather [hbm4b:s1+s13], $0x80, s23, s13, $0xb8;
	[tilespmem:$0x1E000] =	vst v63  }
0x99: {  	_ =	swait.ge [sflag:s29], $0x2800  }
0x9a: {  	[sflag:s29] =	ssyncset.done $0x0  }
0x9b: {  	[sflag:s29] =	ssyncadd.s32 $0xFFFFD800  }
0x9c: {  	_ =	swait.ge [sflag:s29], $0x2800  }
0x9d: {  	s25 =	sadd.s32 $0x50, s17;
	s18 =	simm.s32 $0x0;
	[sflag:s29] =	ssyncset.done $0x0  }
0x9e: {  	s19 =	simm.s32 $0x11780;
	s20 =	simm.s32 $0x7780;
	v9 =	vmov s25;
	[sflag:s29] =	ssyncadd.s32 $0xFFFFD800  }
.LBB2_7:
0x9f: {  	v14 =	vld [tilespmem:s20+$0x60]  }
0xa0: {  	v15 =	vld [tilespmem:s19+$0x60]  }
0xa1: {  	v11 =	vld [tilespmem:s20+$0x70]  }
0xa2: {  	v17 =	vld [tilespmem:s20+$0xFFFFFFE0]  }
0xa3: {  	v18 =	vld [tilespmem:s19+$0xFFFFFFE0]  }
0xa4: {  	v12 =	vld [tilespmem:s20+$0xFFFFFFF0]  }
0xa5: {  	v19 =	vld [tilespmem:s20+$0x40]  }
0xa6: {  	v20 =	vld [tilespmem:s19+$0x40]  }
0xa7: {  	v13 =	vld [tilespmem:s20+$0x50]  }
0xa8: {  	v22 =	vld [tilespmem:s20+$0xFFFFFFC0]  }
0xa9: {  	v24 =	vld [tilespmem:s19+$0xFFFFFFC0]  }
0xaa: {  	v16 =	vld [tilespmem:s20+$0xFFFFFFD0]  }
0xab: {  	v26 =	vld [tilespmem:s20+$0x0]  }
0xac: {  	v27 =	vld [tilespmem:s19+$0x0]  }
0xad: {  	v28 =	vld [tilespmem:s20+$0x10]  }
0xae: {  	v29 =	vld [tilespmem:s19+$0x10]  }
0xaf: {  	v21 =	vld [tilespmem:s20+$0x20]  }
0xb0: {  	v23 =	vld [tilespmem:s19+$0x20]  }
0xb1: {  	v25 =	vld [tilespmem:s20+$0x30]  }
0xb2: {  	v30 =	vld [tilespmem:s20+$0xFFFFFF80]  }
0xb3: {  	v31 =	vld [tilespmem:s19+$0xFFFFFF80]  }
0xb4: {  	v32 =	vld [tilespmem:s20+$0xFFFFFF90]  }
0xb5: {  	v34 =	vld [tilespmem:s19+$0xFFFFFF90]  }
0xb6: {  	v33 =	vld [tilespmem:s20+$0xFFFFFFA0]  }
0xb7: {  	v35 =	vld [tilespmem:s19+$0xFFFFFFA0]  }
0xb8: {  	v36 =	vld [tilespmem:s20+$0xFFFFFFB0];
	s21 =	sshll.u32 s18, $0x4;
	s25 =	simm.s32 $0x2  }
0xb9: {  	v10 =	vimm.f32 $0.0e+00;
	v37 =	vld [tilespmem:s19+$0xFFFFFFB0];
	s23 =	smov.u32 s19;
	s2 =	smov.u32 s20;
	s22 =	simm.s32 $0x0  }
.LBB2_8:
0xba: {  	p0 =	sne.s32 s25, $0xE;
	v38 =	vmul.f32 v18, v17;
	v17 =	vld [tilespmem:s23+$0x30];
	v39 =	vmul.f32 v15, v14  }
0xbb: {  	v18 =	vmul.f32 v24, v22;
	v19 =	vmul.f32 v20, v19;
	v22 =	vld [tilespmem:s23+$0xFFFFFFD0]  }
0xbc: {  	v20 =	vmul.f32 v27, v26;
	v24 =	vmul.f32 v29, v28;
	v26 =	vld [tilespmem:s23+$0x50]  }
0xbd: {  	v27 =	vmul.f32 v31, v30;
	v28 =	vmul.f32 v34, v32;
	v29 =	vld [tilespmem:s23+$0xFFFFFFF0]  }
0xbe: {  	s2 =	sadd.s32 $0x100, s2;
	v30 =	vmul.f32 v35, v33;
	v31 =	vmul.f32 v37, v36;
	v32 =	vld [tilespmem:s23+$0x70]  }
0xbf: {  	v21 =	vmul.f32 v23, v21;
	s23 =	sadd.s32 $0x100, s23;
	v14 =	vld [tilespmem:s2+$0x60];
	v17 =	vmul.f32 v17, v25  }
0xc0: {  	v23 =	vadd.f32 v30, v27;
	v15 =	vld [tilespmem:s23+$0x60];
	v25 =	vadd.f32 v31, v28;
	v16 =	vmul.f32 v22, v16  }
0xc1: {  	v20 =	vadd.f32 v21, v20;
	v22 =	vld [tilespmem:s2+$0x70];
	v21 =	vadd.f32 v17, v24;
	v13 =	vmul.f32 v26, v13  }
0xc2: {  	v23 =	vadd.f32 v18, v23;
	v17 =	vld [tilespmem:s2+$0xFFFFFFE0];
	v16 =	vadd.f32 v16, v25;
	v24 =	vmul.f32 v29, v12  }
0xc3: {  	v20 =	vadd.f32 v19, v20;
	v18 =	vld [tilespmem:s23+$0xFFFFFFE0];
	v13 =	vadd.f32 v13, v21;
	v25 =	vmul.f32 v32, v11  }
0xc4: {  	v21 =	vadd.f32 v38, v23;
	v12 =	vld [tilespmem:s2+$0xFFFFFFF0];
	v16 =	vadd.f32 v24, v16  }
0xc5: {  	v23 =	vadd.f32 v39, v20;
	v19 =	vld [tilespmem:s2+$0x40];
	v24 =	vadd.f32 v25, v13  }
0xc6: {  	v20 =	vld [tilespmem:s23+$0x40];
	v21 =	vadd.f32 v16, v21;
	v11 =	vmov v22  }
0xc7: {  	v13 =	vld [tilespmem:s2+$0x50];
	v23 =	vadd.f32 v24, v23  }
0xc8: {  	v22 =	vld [tilespmem:s2+$0xFFFFFFC0];
	v25 =	vperm.xlane v21, v0  }
0xc9: {  	v24 =	vld [tilespmem:s23+$0xFFFFFFC0];
	v27 =	vperm.xlane v23, v0  }
0xca: {  	v16 =	vld [tilespmem:s2+$0xFFFFFFD0];
	v21 =	vadd.f32 v21, v25  }
0xcb: {  	v26 =	vld [tilespmem:s2+$0x0];
	v23 =	vadd.f32 v23, v27  }
0xcc: {  	v27 =	vld [tilespmem:s23+$0x0];
	v25 =	vperm.xlane v21, v1  }
0xcd: {  	v28 =	vld [tilespmem:s2+$0x10];
	v30 =	vperm.xlane v23, v1  }
0xce: {  	v29 =	vld [tilespmem:s23+$0x10];
	v31 =	vadd.f32 v21, v25  }
0xcf: {  	v21 =	vld [tilespmem:s2+$0x20];
	v32 =	vadd.f32 v23, v30  }
0xd0: {  	v23 =	vld [tilespmem:s23+$0x20];
	v33 =	vperm.xlane v31, v2  }
0xd1: {  	v25 =	vld [tilespmem:s2+$0x30];
	v34 =	vperm.xlane v32, v2  }
0xd2: {  	v30 =	vld [tilespmem:s2+$0xFFFFFF80];
	v35 =	vadd.f32 v31, v33  }
0xd3: {  	v31 =	vld [tilespmem:s23+$0xFFFFFF80];
	v36 =	vadd.f32 v32, v34  }
0xd4: {  	v32 =	vld [tilespmem:s2+$0xFFFFFF90];
	v37 =	vperm.xlane v35, v3  }
.Ltmp2:
0xd5: {  	v34 =	vld [tilespmem:s23+$0xFFFFFF90];
	v38 =	vperm.xlane v36, v3;
	(pc) =	sbr.rel @p0 .LBB2_8-.Ltmp2, $4  }
0xd6: {  	s0 =	sadd.s32 $0x1, s22;
	v39 =	vmov s22;
	s22 =	smov.u32 s25;
	v33 =	vld [tilespmem:s2+$0xFFFFFFA0];
	v37 =	vadd.f32 v35, v37  }
0xd7: {  	vm0 =	veq.s32 v39, v4;
	v39 =	vmov s0;
	v35 =	vld [tilespmem:s23+$0xFFFFFFA0];
	v38 =	vadd.f32 v36, v38  }
0xd8: {  	v36 =	vld [tilespmem:s2+$0xFFFFFFB0];
	v10 =	vsel vm0, v37, v10;
	vm0 =	veq.s32 v39, v4  }
0xd9: {  	s25 =	sadd.s32 $0x2, s25;
	v37 =	vld [tilespmem:s23+$0xFFFFFFB0];
	v10 =	vsel vm0, v38, v10  }
0xda: {  	v17 =	vmul.f32 v18, v17;
	v47 =	vld [tilespmem:s23+$0x30];
	v14 =	vmul.f32 v15, v14  }
0xdb: {  	v48 =	vmul.f32 v24, v22;
	v49 =	vld [tilespmem:s23+$0xFFFFFFD0];
	v19 =	vmul.f32 v20, v19  }
0xdc: {  	v50 =	vmul.f32 v27, v26;
	v51 =	vmul.f32 v29, v28;
	v52 =	vld [tilespmem:s23+$0x50]  }
0xdd: {  	v53 =	vmul.f32 v31, v30;
	v54 =	vmul.f32 v34, v32;
	v55 =	vld [tilespmem:s23+$0xFFFFFFF0]  }
0xde: {  	v58 =	vld [tilespmem:s23+$0x70];
	v56 =	vmul.f32 v35, v33;
	v57 =	vmul.f32 v37, v36  }
0xdf: {  	v21 =	vmul.f32 v23, v21;
	v18 =	vmul.f32 v47, v25  }
0xe0: {  	v59 =	vadd.f32 v56, v53;
	v16 =	vmul.f32 v49, v16;
	v60 =	vadd.f32 v57, v54  }
0xe1: {  	v20 =	vadd.f32 v21, v50;
	v13 =	vmul.f32 v52, v13;
	v18 =	vadd.f32 v18, v51  }
0xe2: {  	v12 =	vmul.f32 v55, v12;
	v15 =	vadd.f32 v48, v59;
	v16 =	vadd.f32 v16, v60  }
0xe3: {  	v19 =	vadd.f32 v19, v20;
	v11 =	vmul.f32 v58, v11;
	v13 =	vadd.f32 v13, v18  }
0xe4: {  	v15 =	vadd.f32 v17, v15;
	v12 =	vadd.f32 v12, v16  }
0xe5: {  	v14 =	vadd.f32 v14, v19;
	v11 =	vadd.f32 v11, v13  }
0xe6: {  	v12 =	vadd.f32 v12, v15  }
0xe7: {  	v11 =	vadd.f32 v11, v14  }
0xe8: {  	v61 =	vperm.xlane v12, v0  }
0xe9: {  	v14 =	vperm.xlane v11, v0  }
0xea: {  	v12 =	vadd.f32 v12, v61  }
0xeb: {  	v11 =	vadd.f32 v11, v14  }
0xec: {  	v13 =	vperm.xlane v12, v1  }
0xed: {  	v14 =	vperm.xlane v11, v1  }
0xee: {  	v12 =	vadd.f32 v12, v13  }
0xef: {  	v11 =	vadd.f32 v11, v14  }
0xf0: {  	v13 =	vperm.xlane v12, v2  }
0xf1: {  	v14 =	vperm.xlane v11, v2  }
0xf2: {  	v12 =	vadd.f32 v12, v13  }
0xf3: {  	v11 =	vadd.f32 v11, v14  }
0xf4: {  	v13 =	vperm.xlane v12, v3  }
0xf5: {  	v14 =	vperm.xlane v11, v3  }
0xf6: {  	v62 =	vmov s22;
	s0 =	sadd.s32 $0x1, s22;
	v12 =	vadd.f32 v12, v13  }
0xf7: {  	vm0 =	veq.s32 v62, v4;
	v63 =	vmov s0;
	v11 =	vadd.f32 v11, v14  }
0xf8: {  	vm15 =	veq.s32 v63, v4;
	v10 =	vsel vm0, v12, v10  }
0xf9: {  	s18 =	sadd.s32 $0x1, s18;
	v10 =	vsel vm15, v11, v10  }
0xfa: {  	p0 =	sne.s32 s18, $0x5;
	v11 =	vmul.f32 v10, v5  }
.Ltmp3:
0xfb: {  	v10 =	vmul.f32 v10, v6;
	(pc) =	sbr.rel @p0 .LBB2_7-.Ltmp3, $4  }
0xfc: {  	v11 =	vadd.f32 v11, v7  }
0xfd: {  	v10 =	vadd.f32 v10, v8  }
0xfe: {  	[tilespmem:v9+s21+$0x18F00 ss:$0x1] =	vst.idx.msk $0xffff, v11  }
0xff: {  	s19 =	sadd.s32 $0x800, s19;
	s20 =	sadd.s32 $0x800, s20;
	[tilespmem:v9+s21+$0x1B680 ss:$0x1] =	vst.idx.msk $0xffff, v10  }
0x100: {  	p0 =	seq.s32 s16, $0x1E  }
0x101: {  	s0 =	sadd.s32 @!p0 $0x190, s17;
	s2 =	simm.s32 @!p0 $0x50;
	s18 =	simm.s32 @!p0 $0x7700  }
0x102: {  	[tilespmem:s18], [sflag:$0x2] =	stream.indirect.gather @!p0 [hbm4b:s1+s2], $0x80, s0, s2, $0xb8;
	[tilespmem:$0x1E000] =	vst v63  }
0x103: {  	s0 =	sadd.s32 @!p0 $0x2910, s17;
	s18 =	simm.s32 @!p0 $0x11700  }
0x104: {  	[tilespmem:s18], [sflag:$0x2] =	stream.indirect.gather @!p0 [hbm4b:s1+s2], $0x80, s0, s2, $0xb8;
	[tilespmem:$0x1E000] =	vst v63  }
0x105: {  	_ =	swait.ge [sflag:s30], $0x2800  }
0x106: {  	[sflag:s30] =	ssyncset.done $0x0  }
0x107: {  	[sflag:s30] =	ssyncadd.s32 $0xFFFFD800  }
0x108: {  	_ =	swait.ge [sflag:s30], $0x2800  }
0x109: {  	s25 =	sadd.s32 $0xA0, s17;
	s19 =	simm.s32 $0x13F80;
	[sflag:s30] =	ssyncset.done $0x0  }
0x10a: {  	s20 =	simm.s32 $0x9F80;
	v9 =	vmov s25;
	s18 =	simm.s32 $0x0;
	[sflag:s30] =	ssyncadd.s32 $0xFFFFD800  }
.LBB2_11:
0x10b: {  	v14 =	vld [tilespmem:s20+$0x60]  }
0x10c: {  	v15 =	vld [tilespmem:s19+$0x60]  }
0x10d: {  	v11 =	vld [tilespmem:s20+$0x70]  }
0x10e: {  	v17 =	vld [tilespmem:s20+$0xFFFFFFE0]  }
0x10f: {  	v18 =	vld [tilespmem:s19+$0xFFFFFFE0]  }
0x110: {  	v12 =	vld [tilespmem:s20+$0xFFFFFFF0]  }
0x111: {  	v19 =	vld [tilespmem:s20+$0x40]  }
0x112: {  	v20 =	vld [tilespmem:s19+$0x40]  }
0x113: {  	v13 =	vld [tilespmem:s20+$0x50]  }
0x114: {  	v22 =	vld [tilespmem:s20+$0xFFFFFFC0]  }
0x115: {  	v24 =	vld [tilespmem:s19+$0xFFFFFFC0]  }
0x116: {  	v16 =	vld [tilespmem:s20+$0xFFFFFFD0]  }
0x117: {  	v26 =	vld [tilespmem:s20+$0x0]  }
0x118: {  	v27 =	vld [tilespmem:s19+$0x0]  }
0x119: {  	v28 =	vld [tilespmem:s20+$0x10]  }
0x11a: {  	v29 =	vld [tilespmem:s19+$0x10]  }
0x11b: {  	v21 =	vld [tilespmem:s20+$0x20]  }
0x11c: {  	v23 =	vld [tilespmem:s19+$0x20]  }
0x11d: {  	v25 =	vld [tilespmem:s20+$0x30]  }
0x11e: {  	v30 =	vld [tilespmem:s20+$0xFFFFFF80]  }
0x11f: {  	v31 =	vld [tilespmem:s19+$0xFFFFFF80]  }
0x120: {  	v32 =	vld [tilespmem:s20+$0xFFFFFF90]  }
0x121: {  	v34 =	vld [tilespmem:s19+$0xFFFFFF90]  }
0x122: {  	v33 =	vld [tilespmem:s20+$0xFFFFFFA0]  }
0x123: {  	v35 =	vld [tilespmem:s19+$0xFFFFFFA0]  }
0x124: {  	v36 =	vld [tilespmem:s20+$0xFFFFFFB0];
	s21 =	sshll.u32 s18, $0x4;
	s25 =	simm.s32 $0x2  }
0x125: {  	v10 =	vimm.f32 $0.0e+00;
	v37 =	vld [tilespmem:s19+$0xFFFFFFB0];
	s23 =	smov.u32 s19;
	s2 =	smov.u32 s20;
	s22 =	simm.s32 $0x0  }
.LBB2_12:
0x126: {  	p1 =	sne.s32 s25, $0xE;
	v38 =	vmul.f32 v18, v17;
	v17 =	vld [tilespmem:s23+$0x30];
	v39 =	vmul.f32 v15, v14  }
0x127: {  	v18 =	vmul.f32 v24, v22;
	v19 =	vmul.f32 v20, v19;
	v22 =	vld [tilespmem:s23+$0xFFFFFFD0]  }
0x128: {  	v20 =	vmul.f32 v27, v26;
	v24 =	vmul.f32 v29, v28;
	v26 =	vld [tilespmem:s23+$0x50]  }
0x129: {  	v27 =	vmul.f32 v31, v30;
	v28 =	vmul.f32 v34, v32;
	v29 =	vld [tilespmem:s23+$0xFFFFFFF0]  }
0x12a: {  	s2 =	sadd.s32 $0x100, s2;
	v30 =	vmul.f32 v35, v33;
	v31 =	vmul.f32 v37, v36;
	v32 =	vld [tilespmem:s23+$0x70]  }
0x12b: {  	v21 =	vmul.f32 v23, v21;
	s23 =	sadd.s32 $0x100, s23;
	v14 =	vld [tilespmem:s2+$0x60];
	v17 =	vmul.f32 v17, v25  }
0x12c: {  	v23 =	vadd.f32 v30, v27;
	v15 =	vld [tilespmem:s23+$0x60];
	v25 =	vadd.f32 v31, v28;
	v16 =	vmul.f32 v22, v16  }
0x12d: {  	v20 =	vadd.f32 v21, v20;
	v22 =	vld [tilespmem:s2+$0x70];
	v21 =	vadd.f32 v17, v24;
	v13 =	vmul.f32 v26, v13  }
0x12e: {  	v23 =	vadd.f32 v18, v23;
	v17 =	vld [tilespmem:s2+$0xFFFFFFE0];
	v16 =	vadd.f32 v16, v25;
	v24 =	vmul.f32 v29, v12  }
0x12f: {  	v20 =	vadd.f32 v19, v20;
	v18 =	vld [tilespmem:s23+$0xFFFFFFE0];
	v13 =	vadd.f32 v13, v21;
	v25 =	vmul.f32 v32, v11  }
0x130: {  	v21 =	vadd.f32 v38, v23;
	v12 =	vld [tilespmem:s2+$0xFFFFFFF0];
	v16 =	vadd.f32 v24, v16  }
0x131: {  	v23 =	vadd.f32 v39, v20;
	v19 =	vld [tilespmem:s2+$0x40];
	v24 =	vadd.f32 v25, v13  }
0x132: {  	v20 =	vld [tilespmem:s23+$0x40];
	v21 =	vadd.f32 v16, v21;
	v11 =	vmov v22  }
0x133: {  	v13 =	vld [tilespmem:s2+$0x50];
	v23 =	vadd.f32 v24, v23  }
0x134: {  	v22 =	vld [tilespmem:s2+$0xFFFFFFC0];
	v25 =	vperm.xlane v21, v0  }
0x135: {  	v24 =	vld [tilespmem:s23+$0xFFFFFFC0];
	v27 =	vperm.xlane v23, v0  }
0x136: {  	v16 =	vld [tilespmem:s2+$0xFFFFFFD0];
	v21 =	vadd.f32 v21, v25  }
0x137: {  	v26 =	vld [tilespmem:s2+$0x0];
	v23 =	vadd.f32 v23, v27  }
0x138: {  	v27 =	vld [tilespmem:s23+$0x0];
	v25 =	vperm.xlane v21, v1  }
0x139: {  	v28 =	vld [tilespmem:s2+$0x10];
	v30 =	vperm.xlane v23, v1  }
0x13a: {  	v29 =	vld [tilespmem:s23+$0x10];
	v31 =	vadd.f32 v21, v25  }
0x13b: {  	v21 =	vld [tilespmem:s2+$0x20];
	v32 =	vadd.f32 v23, v30  }
0x13c: {  	v23 =	vld [tilespmem:s23+$0x20];
	v33 =	vperm.xlane v31, v2  }
0x13d: {  	v25 =	vld [tilespmem:s2+$0x30];
	v34 =	vperm.xlane v32, v2  }
0x13e: {  	v30 =	vld [tilespmem:s2+$0xFFFFFF80];
	v35 =	vadd.f32 v31, v33  }
0x13f: {  	v31 =	vld [tilespmem:s23+$0xFFFFFF80];
	v36 =	vadd.f32 v32, v34  }
0x140: {  	v32 =	vld [tilespmem:s2+$0xFFFFFF90];
	v37 =	vperm.xlane v35, v3  }
.Ltmp4:
0x141: {  	v34 =	vld [tilespmem:s23+$0xFFFFFF90];
	v38 =	vperm.xlane v36, v3;
	(pc) =	sbr.rel @p1 .LBB2_12-.Ltmp4, $4  }
0x142: {  	s0 =	sadd.s32 $0x1, s22;
	v39 =	vmov s22;
	s22 =	smov.u32 s25;
	v33 =	vld [tilespmem:s2+$0xFFFFFFA0];
	v37 =	vadd.f32 v35, v37  }
0x143: {  	vm0 =	veq.s32 v39, v4;
	v39 =	vmov s0;
	v35 =	vld [tilespmem:s23+$0xFFFFFFA0];
	v38 =	vadd.f32 v36, v38  }
0x144: {  	v36 =	vld [tilespmem:s2+$0xFFFFFFB0];
	v10 =	vsel vm0, v37, v10;
	vm0 =	veq.s32 v39, v4  }
0x145: {  	s25 =	sadd.s32 $0x2, s25;
	v37 =	vld [tilespmem:s23+$0xFFFFFFB0];
	v10 =	vsel vm0, v38, v10  }
0x146: {  	v17 =	vmul.f32 v18, v17;
	v47 =	vld [tilespmem:s23+$0x30];
	v14 =	vmul.f32 v15, v14  }
0x147: {  	v48 =	vmul.f32 v24, v22;
	v49 =	vld [tilespmem:s23+$0xFFFFFFD0];
	v19 =	vmul.f32 v20, v19  }
0x148: {  	v50 =	vmul.f32 v27, v26;
	v51 =	vmul.f32 v29, v28;
	v52 =	vld [tilespmem:s23+$0x50]  }
0x149: {  	v53 =	vmul.f32 v31, v30;
	v54 =	vmul.f32 v34, v32;
	v55 =	vld [tilespmem:s23+$0xFFFFFFF0]  }
0x14a: {  	v58 =	vld [tilespmem:s23+$0x70];
	v56 =	vmul.f32 v35, v33;
	v57 =	vmul.f32 v37, v36  }
0x14b: {  	v21 =	vmul.f32 v23, v21;
	v18 =	vmul.f32 v47, v25  }
0x14c: {  	v59 =	vadd.f32 v56, v53;
	v16 =	vmul.f32 v49, v16;
	v60 =	vadd.f32 v57, v54  }
0x14d: {  	v20 =	vadd.f32 v21, v50;
	v13 =	vmul.f32 v52, v13;
	v18 =	vadd.f32 v18, v51  }
0x14e: {  	v12 =	vmul.f32 v55, v12;
	v15 =	vadd.f32 v48, v59;
	v16 =	vadd.f32 v16, v60  }
0x14f: {  	v19 =	vadd.f32 v19, v20;
	v11 =	vmul.f32 v58, v11;
	v13 =	vadd.f32 v13, v18  }
0x150: {  	v15 =	vadd.f32 v17, v15;
	v12 =	vadd.f32 v12, v16  }
0x151: {  	v14 =	vadd.f32 v14, v19;
	v11 =	vadd.f32 v11, v13  }
0x152: {  	v12 =	vadd.f32 v12, v15  }
0x153: {  	v11 =	vadd.f32 v11, v14  }
0x154: {  	v61 =	vperm.xlane v12, v0  }
0x155: {  	v14 =	vperm.xlane v11, v0  }
0x156: {  	v12 =	vadd.f32 v12, v61  }
0x157: {  	v11 =	vadd.f32 v11, v14  }
0x158: {  	v13 =	vperm.xlane v12, v1  }
0x159: {  	v14 =	vperm.xlane v11, v1  }
0x15a: {  	v12 =	vadd.f32 v12, v13  }
0x15b: {  	v11 =	vadd.f32 v11, v14  }
0x15c: {  	v13 =	vperm.xlane v12, v2  }
0x15d: {  	v14 =	vperm.xlane v11, v2  }
0x15e: {  	v12 =	vadd.f32 v12, v13  }
0x15f: {  	v11 =	vadd.f32 v11, v14  }
0x160: {  	v13 =	vperm.xlane v12, v3  }
0x161: {  	v14 =	vperm.xlane v11, v3  }
0x162: {  	v62 =	vmov s22;
	s0 =	sadd.s32 $0x1, s22;
	v12 =	vadd.f32 v12, v13  }
0x163: {  	vm0 =	veq.s32 v62, v4;
	v63 =	vmov s0;
	v11 =	vadd.f32 v11, v14  }
0x164: {  	vm15 =	veq.s32 v63, v4;
	v10 =	vsel vm0, v12, v10  }
0x165: {  	s18 =	sadd.s32 $0x1, s18;
	v10 =	vsel vm15, v11, v10  }
0x166: {  	p1 =	sne.s32 s18, $0x5;
	v11 =	vmul.f32 v10, v5  }
.Ltmp5:
0x167: {  	v10 =	vmul.f32 v10, v6;
	(pc) =	sbr.rel @p1 .LBB2_11-.Ltmp5, $4  }
0x168: {  	v11 =	vadd.f32 v11, v7  }
0x169: {  	v10 =	vadd.f32 v10, v8  }
0x16a: {  	[tilespmem:v9+s21+$0x18F00 ss:$0x1] =	vst.idx.msk $0xffff, v11  }
0x16b: {  	s19 =	sadd.s32 $0x800, s19;
	s20 =	sadd.s32 $0x800, s20;
	[tilespmem:v9+s21+$0x1B680 ss:$0x1] =	vst.idx.msk $0xffff, v10  }
0x16c: {  	s0 =	sadd.s32 @!p0 $0x1E0, s17;
	s2 =	simm.s32 @!p0 $0x50;
	s18 =	simm.s32 @!p0 $0x9F00  }
0x16d: {  	[tilespmem:s18], [sflag:$0x3] =	stream.indirect.gather @!p0 [hbm4b:s1+s2], $0x80, s0, s2, $0xb8;
	[tilespmem:$0x1E000] =	vst v63  }
0x16e: {  	s0 =	sadd.s32 @!p0 $0x2960, s17;
	s18 =	simm.s32 @!p0 $0x13F00  }
0x16f: {  	[tilespmem:s18], [sflag:$0x3] =	stream.indirect.gather @!p0 [hbm4b:s1+s2], $0x80, s0, s2, $0xb8;
	[tilespmem:$0x1E000] =	vst v63  }
0x170: {  	_ =	swait.ge [sflag:s31], $0x2800  }
0x171: {  	[sflag:s31] =	ssyncset.done $0x0  }
0x172: {  	[sflag:s31] =	ssyncadd.s32 $0xFFFFD800  }
0x173: {  	_ =	swait.ge [sflag:s31], $0x2800  }
0x174: {  	s25 =	sadd.s32 $0xF0, s17;
	s19 =	simm.s32 $0x16780;
	[sflag:s31] =	ssyncset.done $0x0  }
0x175: {  	s20 =	simm.s32 $0xC780;
	v9 =	vmov s25;
	s18 =	simm.s32 $0x0;
	[sflag:s31] =	ssyncadd.s32 $0xFFFFD800  }
.LBB2_15:
0x176: {  	v14 =	vld [tilespmem:s20+$0x60]  }
0x177: {  	v15 =	vld [tilespmem:s19+$0x60]  }
0x178: {  	v11 =	vld [tilespmem:s20+$0x70]  }
0x179: {  	v17 =	vld [tilespmem:s20+$0xFFFFFFE0]  }
0x17a: {  	v18 =	vld [tilespmem:s19+$0xFFFFFFE0]  }
0x17b: {  	v12 =	vld [tilespmem:s20+$0xFFFFFFF0]  }
0x17c: {  	v19 =	vld [tilespmem:s20+$0x40]  }
0x17d: {  	v20 =	vld [tilespmem:s19+$0x40]  }
0x17e: {  	v13 =	vld [tilespmem:s20+$0x50]  }
0x17f: {  	v22 =	vld [tilespmem:s20+$0xFFFFFFC0]  }
0x180: {  	v24 =	vld [tilespmem:s19+$0xFFFFFFC0]  }
0x181: {  	v16 =	vld [tilespmem:s20+$0xFFFFFFD0]  }
0x182: {  	v26 =	vld [tilespmem:s20+$0x0]  }
0x183: {  	v27 =	vld [tilespmem:s19+$0x0]  }
0x184: {  	v28 =	vld [tilespmem:s20+$0x10]  }
0x185: {  	v29 =	vld [tilespmem:s19+$0x10]  }
0x186: {  	v21 =	vld [tilespmem:s20+$0x20]  }
0x187: {  	v23 =	vld [tilespmem:s19+$0x20]  }
0x188: {  	v25 =	vld [tilespmem:s20+$0x30]  }
0x189: {  	v30 =	vld [tilespmem:s20+$0xFFFFFF80]  }
0x18a: {  	v31 =	vld [tilespmem:s19+$0xFFFFFF80]  }
0x18b: {  	v32 =	vld [tilespmem:s20+$0xFFFFFF90]  }
0x18c: {  	v34 =	vld [tilespmem:s19+$0xFFFFFF90]  }
0x18d: {  	v33 =	vld [tilespmem:s20+$0xFFFFFFA0]  }
0x18e: {  	v35 =	vld [tilespmem:s19+$0xFFFFFFA0]  }
0x18f: {  	v36 =	vld [tilespmem:s20+$0xFFFFFFB0];
	s21 =	sshll.u32 s18, $0x4;
	s25 =	simm.s32 $0x2  }
0x190: {  	v10 =	vimm.f32 $0.0e+00;
	v37 =	vld [tilespmem:s19+$0xFFFFFFB0];
	s23 =	smov.u32 s19;
	s2 =	smov.u32 s20;
	s22 =	simm.s32 $0x0  }
.LBB2_16:
0x191: {  	p1 =	sne.s32 s25, $0xE;
	v38 =	vmul.f32 v18, v17;
	v17 =	vld [tilespmem:s23+$0x30];
	v39 =	vmul.f32 v15, v14  }
0x192: {  	v18 =	vmul.f32 v24, v22;
	v19 =	vmul.f32 v20, v19;
	v22 =	vld [tilespmem:s23+$0xFFFFFFD0]  }
0x193: {  	v20 =	vmul.f32 v27, v26;
	v24 =	vmul.f32 v29, v28;
	v26 =	vld [tilespmem:s23+$0x50]  }
0x194: {  	v27 =	vmul.f32 v31, v30;
	v28 =	vmul.f32 v34, v32;
	v29 =	vld [tilespmem:s23+$0xFFFFFFF0]  }
0x195: {  	s2 =	sadd.s32 $0x100, s2;
	v30 =	vmul.f32 v35, v33;
	v31 =	vmul.f32 v37, v36;
	v32 =	vld [tilespmem:s23+$0x70]  }
0x196: {  	v21 =	vmul.f32 v23, v21;
	s23 =	sadd.s32 $0x100, s23;
	v14 =	vld [tilespmem:s2+$0x60];
	v17 =	vmul.f32 v17, v25  }
0x197: {  	v23 =	vadd.f32 v30, v27;
	v15 =	vld [tilespmem:s23+$0x60];
	v25 =	vadd.f32 v31, v28;
	v16 =	vmul.f32 v22, v16  }
0x198: {  	v20 =	vadd.f32 v21, v20;
	v22 =	vld [tilespmem:s2+$0x70];
	v21 =	vadd.f32 v17, v24;
	v13 =	vmul.f32 v26, v13  }
0x199: {  	v23 =	vadd.f32 v18, v23;
	v17 =	vld [tilespmem:s2+$0xFFFFFFE0];
	v16 =	vadd.f32 v16, v25;
	v24 =	vmul.f32 v29, v12  }
0x19a: {  	v20 =	vadd.f32 v19, v20;
	v18 =	vld [tilespmem:s23+$0xFFFFFFE0];
	v13 =	vadd.f32 v13, v21;
	v25 =	vmul.f32 v32, v11  }
0x19b: {  	v21 =	vadd.f32 v38, v23;
	v12 =	vld [tilespmem:s2+$0xFFFFFFF0];
	v16 =	vadd.f32 v24, v16  }
0x19c: {  	v23 =	vadd.f32 v39, v20;
	v19 =	vld [tilespmem:s2+$0x40];
	v24 =	vadd.f32 v25, v13  }
0x19d: {  	v20 =	vld [tilespmem:s23+$0x40];
	v21 =	vadd.f32 v16, v21;
	v11 =	vmov v22  }
0x19e: {  	v13 =	vld [tilespmem:s2+$0x50];
	v23 =	vadd.f32 v24, v23  }
0x19f: {  	v22 =	vld [tilespmem:s2+$0xFFFFFFC0];
	v25 =	vperm.xlane v21, v0  }
0x1a0: {  	v24 =	vld [tilespmem:s23+$0xFFFFFFC0];
	v27 =	vperm.xlane v23, v0  }
0x1a1: {  	v16 =	vld [tilespmem:s2+$0xFFFFFFD0];
	v21 =	vadd.f32 v21, v25  }
0x1a2: {  	v26 =	vld [tilespmem:s2+$0x0];
	v23 =	vadd.f32 v23, v27  }
0x1a3: {  	v27 =	vld [tilespmem:s23+$0x0];
	v25 =	vperm.xlane v21, v1  }
0x1a4: {  	v28 =	vld [tilespmem:s2+$0x10];
	v30 =	vperm.xlane v23, v1  }
0x1a5: {  	v29 =	vld [tilespmem:s23+$0x10];
	v31 =	vadd.f32 v21, v25  }
0x1a6: {  	v21 =	vld [tilespmem:s2+$0x20];
	v32 =	vadd.f32 v23, v30  }
0x1a7: {  	v23 =	vld [tilespmem:s23+$0x20];
	v33 =	vperm.xlane v31, v2  }
0x1a8: {  	v25 =	vld [tilespmem:s2+$0x30];
	v34 =	vperm.xlane v32, v2  }
0x1a9: {  	v30 =	vld [tilespmem:s2+$0xFFFFFF80];
	v35 =	vadd.f32 v31, v33  }
0x1aa: {  	v31 =	vld [tilespmem:s23+$0xFFFFFF80];
	v36 =	vadd.f32 v32, v34  }
0x1ab: {  	v32 =	vld [tilespmem:s2+$0xFFFFFF90];
	v37 =	vperm.xlane v35, v3  }
.Ltmp6:
0x1ac: {  	v34 =	vld [tilespmem:s23+$0xFFFFFF90];
	v38 =	vperm.xlane v36, v3;
	(pc) =	sbr.rel @p1 .LBB2_16-.Ltmp6, $4  }
0x1ad: {  	s0 =	sadd.s32 $0x1, s22;
	v39 =	vmov s22;
	s22 =	smov.u32 s25;
	v33 =	vld [tilespmem:s2+$0xFFFFFFA0];
	v37 =	vadd.f32 v35, v37  }
0x1ae: {  	vm0 =	veq.s32 v39, v4;
	v39 =	vmov s0;
	v35 =	vld [tilespmem:s23+$0xFFFFFFA0];
	v38 =	vadd.f32 v36, v38  }
0x1af: {  	v36 =	vld [tilespmem:s2+$0xFFFFFFB0];
	v10 =	vsel vm0, v37, v10;
	vm0 =	veq.s32 v39, v4  }
0x1b0: {  	s25 =	sadd.s32 $0x2, s25;
	v37 =	vld [tilespmem:s23+$0xFFFFFFB0];
	v10 =	vsel vm0, v38, v10  }
0x1b1: {  	v17 =	vmul.f32 v18, v17;
	v47 =	vld [tilespmem:s23+$0x30];
	v14 =	vmul.f32 v15, v14  }
0x1b2: {  	v48 =	vmul.f32 v24, v22;
	v49 =	vld [tilespmem:s23+$0xFFFFFFD0];
	v19 =	vmul.f32 v20, v19  }
0x1b3: {  	v50 =	vmul.f32 v27, v26;
	v51 =	vmul.f32 v29, v28;
	v52 =	vld [tilespmem:s23+$0x50]  }
0x1b4: {  	v53 =	vmul.f32 v31, v30;
	v54 =	vmul.f32 v34, v32;
	v55 =	vld [tilespmem:s23+$0xFFFFFFF0]  }
0x1b5: {  	v58 =	vld [tilespmem:s23+$0x70];
	v56 =	vmul.f32 v35, v33;
	v57 =	vmul.f32 v37, v36  }
0x1b6: {  	v21 =	vmul.f32 v23, v21;
	v18 =	vmul.f32 v47, v25  }
0x1b7: {  	v59 =	vadd.f32 v56, v53;
	v16 =	vmul.f32 v49, v16;
	v60 =	vadd.f32 v57, v54  }
0x1b8: {  	v20 =	vadd.f32 v21, v50;
	v13 =	vmul.f32 v52, v13;
	v18 =	vadd.f32 v18, v51  }
0x1b9: {  	v12 =	vmul.f32 v55, v12;
	v15 =	vadd.f32 v48, v59;
	v16 =	vadd.f32 v16, v60  }
0x1ba: {  	v19 =	vadd.f32 v19, v20;
	v11 =	vmul.f32 v58, v11;
	v13 =	vadd.f32 v13, v18  }
0x1bb: {  	v15 =	vadd.f32 v17, v15;
	v12 =	vadd.f32 v12, v16  }
0x1bc: {  	v14 =	vadd.f32 v14, v19;
	v11 =	vadd.f32 v11, v13  }
0x1bd: {  	v12 =	vadd.f32 v12, v15  }
0x1be: {  	v11 =	vadd.f32 v11, v14  }
0x1bf: {  	v61 =	vperm.xlane v12, v0  }
0x1c0: {  	v14 =	vperm.xlane v11, v0  }
0x1c1: {  	v12 =	vadd.f32 v12, v61  }
0x1c2: {  	v11 =	vadd.f32 v11, v14  }
0x1c3: {  	v13 =	vperm.xlane v12, v1  }
0x1c4: {  	v14 =	vperm.xlane v11, v1  }
0x1c5: {  	v12 =	vadd.f32 v12, v13  }
0x1c6: {  	v11 =	vadd.f32 v11, v14  }
0x1c7: {  	v13 =	vperm.xlane v12, v2  }
0x1c8: {  	v14 =	vperm.xlane v11, v2  }
0x1c9: {  	v12 =	vadd.f32 v12, v13  }
0x1ca: {  	v11 =	vadd.f32 v11, v14  }
0x1cb: {  	v13 =	vperm.xlane v12, v3  }
0x1cc: {  	v14 =	vperm.xlane v11, v3  }
0x1cd: {  	v62 =	vmov s22;
	s0 =	sadd.s32 $0x1, s22;
	v12 =	vadd.f32 v12, v13  }
0x1ce: {  	vm0 =	veq.s32 v62, v4;
	v63 =	vmov s0;
	v11 =	vadd.f32 v11, v14  }
0x1cf: {  	vm15 =	veq.s32 v63, v4;
	v10 =	vsel vm0, v12, v10  }
0x1d0: {  	s18 =	sadd.s32 $0x1, s18;
	v10 =	vsel vm15, v11, v10  }
0x1d1: {  	p1 =	sne.s32 s18, $0x5;
	v11 =	vmul.f32 v10, v5  }
.Ltmp7:
0x1d2: {  	v10 =	vmul.f32 v10, v6;
	(pc) =	sbr.rel @p1 .LBB2_15-.Ltmp7, $4  }
0x1d3: {  	v11 =	vadd.f32 v11, v7  }
0x1d4: {  	v10 =	vadd.f32 v10, v8  }
0x1d5: {  	[tilespmem:v9+s21+$0x18F00 ss:$0x1] =	vst.idx.msk $0xffff, v11  }
0x1d6: {  	s19 =	sadd.s32 $0x800, s19;
	s20 =	sadd.s32 $0x800, s20;
	[tilespmem:v9+s21+$0x1B680 ss:$0x1] =	vst.idx.msk $0xffff, v10  }
.Ltmp8:
0x1d7: {  	(pc) =	sbr.rel @p0 .LBB2_20-.Ltmp8, $1  }
0x1d8: {  	_ =	sdelay $0x3  }
.Ltmp9:
0x1d9: {  	(pc) =	sbr.rel .LBB2_2-.Ltmp9, $4  }
0x1da: {  	s0 =	sadd.s32 $0x230, s17  }
0x1db: {  	[tilespmem:s24], [sflag:$0x4] =	stream.indirect.gather [hbm4b:s1+s13], $0x80, s0, s13, $0xb8;
	[tilespmem:$0x1E000] =	vst v63  }
0x1dc: {  	s25 =	sadd.s32 $0x29B0, s17;
	s16 =	sadd.s32 $0x1, s16  }
0x1dd: {  	[tilespmem:s26], [sflag:$0x4] =	stream.indirect.gather [hbm4b:s1+s13], $0x80, s25, s13, $0xb8;
	[tilespmem:$0x1E000] =	vst v63  }
.LBB2_20:
0x1de: {  	_ =	swait.ge [sflag:s28], $0x2800  }
0x1df: {  	[sflag:s28] =	ssyncset.done $0x0  }
0x1e0: {  	[sflag:s28] =	ssyncadd.s32 $0xFFFFD800  }
0x1e1: {  	_ =	swait.ge [sflag:s28], $0x2800  }
0x1e2: {  	s16 =	simm.s32 $0x0;
	[sflag:s28] =	ssyncset.done $0x0  }
0x1e3: {  	s17 =	simm.s32 $0xEF80;
	s18 =	simm.s32 $0x4F80;
	[sflag:s28] =	ssyncadd.s32 $0xFFFFD800  }
.LBB2_21:
0x1e4: {  	v13 =	vld [tilespmem:s18+$0x60]  }
0x1e5: {  	v14 =	vld [tilespmem:s17+$0x60]  }
0x1e6: {  	v10 =	vld [tilespmem:s18+$0x70]  }
0x1e7: {  	v16 =	vld [tilespmem:s18+$0xFFFFFFE0]  }
0x1e8: {  	v17 =	vld [tilespmem:s17+$0xFFFFFFE0]  }
0x1e9: {  	v11 =	vld [tilespmem:s18+$0xFFFFFFF0]  }
0x1ea: {  	v18 =	vld [tilespmem:s18+$0x40]  }
0x1eb: {  	v19 =	vld [tilespmem:s17+$0x40]  }
0x1ec: {  	v12 =	vld [tilespmem:s18+$0x50]  }
0x1ed: {  	v21 =	vld [tilespmem:s18+$0xFFFFFFC0]  }
0x1ee: {  	v23 =	vld [tilespmem:s17+$0xFFFFFFC0]  }
0x1ef: {  	v15 =	vld [tilespmem:s18+$0xFFFFFFD0]  }
0x1f0: {  	v25 =	vld [tilespmem:s18+$0x0]  }
0x1f1: {  	v26 =	vld [tilespmem:s17+$0x0]  }
0x1f2: {  	v27 =	vld [tilespmem:s18+$0x10]  }
0x1f3: {  	v28 =	vld [tilespmem:s17+$0x10]  }
0x1f4: {  	v20 =	vld [tilespmem:s18+$0x20]  }
0x1f5: {  	v22 =	vld [tilespmem:s17+$0x20]  }
0x1f6: {  	v24 =	vld [tilespmem:s18+$0x30]  }
0x1f7: {  	v29 =	vld [tilespmem:s18+$0xFFFFFF80]  }
0x1f8: {  	v30 =	vld [tilespmem:s17+$0xFFFFFF80]  }
0x1f9: {  	v31 =	vld [tilespmem:s18+$0xFFFFFF90]  }
0x1fa: {  	v33 =	vld [tilespmem:s17+$0xFFFFFF90]  }
0x1fb: {  	v32 =	vld [tilespmem:s18+$0xFFFFFFA0]  }
0x1fc: {  	v34 =	vld [tilespmem:s17+$0xFFFFFFA0]  }
0x1fd: {  	v35 =	vld [tilespmem:s18+$0xFFFFFFB0];
	s19 =	sshll.u32 s16, $0x4;
	s22 =	simm.s32 $0x2  }
0x1fe: {  	v9 =	vimm.f32 $0.0e+00;
	v36 =	vld [tilespmem:s17+$0xFFFFFFB0];
	s21 =	smov.u32 s17;
	s2 =	smov.u32 s18;
	s20 =	simm.s32 $0x0  }
.LBB2_22:
0x1ff: {  	p0 =	sne.s32 s22, $0xE;
	v37 =	vmul.f32 v17, v16;
	v16 =	vld [tilespmem:s21+$0x30];
	v38 =	vmul.f32 v14, v13  }
0x200: {  	v17 =	vmul.f32 v23, v21;
	v18 =	vmul.f32 v19, v18;
	v21 =	vld [tilespmem:s21+$0xFFFFFFD0]  }
0x201: {  	v19 =	vmul.f32 v26, v25;
	v23 =	vmul.f32 v28, v27;
	v25 =	vld [tilespmem:s21+$0x50]  }
0x202: {  	v26 =	vmul.f32 v30, v29;
	v27 =	vmul.f32 v33, v31;
	v28 =	vld [tilespmem:s21+$0xFFFFFFF0]  }
0x203: {  	s2 =	sadd.s32 $0x100, s2;
	v29 =	vmul.f32 v34, v32;
	v30 =	vmul.f32 v36, v35;
	v31 =	vld [tilespmem:s21+$0x70]  }
0x204: {  	v20 =	vmul.f32 v22, v20;
	s21 =	sadd.s32 $0x100, s21;
	v13 =	vld [tilespmem:s2+$0x60];
	v16 =	vmul.f32 v16, v24  }
0x205: {  	v22 =	vadd.f32 v29, v26;
	v14 =	vld [tilespmem:s21+$0x60];
	v24 =	vadd.f32 v30, v27;
	v15 =	vmul.f32 v21, v15  }
0x206: {  	v19 =	vadd.f32 v20, v19;
	v21 =	vld [tilespmem:s2+$0x70];
	v20 =	vadd.f32 v16, v23;
	v12 =	vmul.f32 v25, v12  }
0x207: {  	v22 =	vadd.f32 v17, v22;
	v16 =	vld [tilespmem:s2+$0xFFFFFFE0];
	v15 =	vadd.f32 v15, v24;
	v23 =	vmul.f32 v28, v11  }
0x208: {  	v19 =	vadd.f32 v18, v19;
	v17 =	vld [tilespmem:s21+$0xFFFFFFE0];
	v12 =	vadd.f32 v12, v20;
	v24 =	vmul.f32 v31, v10  }
0x209: {  	v20 =	vadd.f32 v37, v22;
	v11 =	vld [tilespmem:s2+$0xFFFFFFF0];
	v15 =	vadd.f32 v23, v15  }
0x20a: {  	v22 =	vadd.f32 v38, v19;
	v18 =	vld [tilespmem:s2+$0x40];
	v23 =	vadd.f32 v24, v12  }
0x20b: {  	v19 =	vld [tilespmem:s21+$0x40];
	v20 =	vadd.f32 v15, v20;
	v10 =	vmov v21  }
0x20c: {  	v12 =	vld [tilespmem:s2+$0x50];
	v22 =	vadd.f32 v23, v22  }
0x20d: {  	v21 =	vld [tilespmem:s2+$0xFFFFFFC0];
	v24 =	vperm.xlane v20, v0  }
0x20e: {  	v23 =	vld [tilespmem:s21+$0xFFFFFFC0];
	v26 =	vperm.xlane v22, v0  }
0x20f: {  	v15 =	vld [tilespmem:s2+$0xFFFFFFD0];
	v20 =	vadd.f32 v20, v24  }
0x210: {  	v25 =	vld [tilespmem:s2+$0x0];
	v22 =	vadd.f32 v22, v26  }
0x211: {  	v26 =	vld [tilespmem:s21+$0x0];
	v24 =	vperm.xlane v20, v1  }
0x212: {  	v27 =	vld [tilespmem:s2+$0x10];
	v29 =	vperm.xlane v22, v1  }
0x213: {  	v28 =	vld [tilespmem:s21+$0x10];
	v30 =	vadd.f32 v20, v24  }
0x214: {  	v20 =	vld [tilespmem:s2+$0x20];
	v31 =	vadd.f32 v22, v29  }
0x215: {  	v22 =	vld [tilespmem:s21+$0x20];
	v32 =	vperm.xlane v30, v2  }
0x216: {  	v24 =	vld [tilespmem:s2+$0x30];
	v33 =	vperm.xlane v31, v2  }
0x217: {  	v29 =	vld [tilespmem:s2+$0xFFFFFF80];
	v34 =	vadd.f32 v30, v32  }
0x218: {  	v30 =	vld [tilespmem:s21+$0xFFFFFF80];
	v35 =	vadd.f32 v31, v33  }
0x219: {  	v31 =	vld [tilespmem:s2+$0xFFFFFF90];
	v36 =	vperm.xlane v34, v3  }
.Ltmp10:
0x21a: {  	v33 =	vld [tilespmem:s21+$0xFFFFFF90];
	v37 =	vperm.xlane v35, v3;
	(pc) =	sbr.rel @p0 .LBB2_22-.Ltmp10, $4  }
0x21b: {  	s0 =	sadd.s32 $0x1, s20;
	v38 =	vmov s20;
	s20 =	smov.u32 s22;
	v32 =	vld [tilespmem:s2+$0xFFFFFFA0];
	v36 =	vadd.f32 v34, v36  }
0x21c: {  	vm0 =	veq.s32 v38, v4;
	v38 =	vmov s0;
	v34 =	vld [tilespmem:s21+$0xFFFFFFA0];
	v37 =	vadd.f32 v35, v37  }
0x21d: {  	v35 =	vld [tilespmem:s2+$0xFFFFFFB0];
	v9 =	vsel vm0, v36, v9;
	vm0 =	veq.s32 v38, v4  }
0x21e: {  	s22 =	sadd.s32 $0x2, s22;
	v36 =	vld [tilespmem:s21+$0xFFFFFFB0];
	v9 =	vsel vm0, v37, v9  }
0x21f: {  	v16 =	vmul.f32 v17, v16;
	v47 =	vld [tilespmem:s21+$0x30];
	v13 =	vmul.f32 v14, v13  }
0x220: {  	v48 =	vmul.f32 v23, v21;
	v49 =	vld [tilespmem:s21+$0xFFFFFFD0];
	v18 =	vmul.f32 v19, v18  }
0x221: {  	v50 =	vmul.f32 v26, v25;
	v51 =	vmul.f32 v28, v27;
	v52 =	vld [tilespmem:s21+$0x50]  }
0x222: {  	v53 =	vmul.f32 v30, v29;
	v54 =	vmul.f32 v33, v31;
	v55 =	vld [tilespmem:s21+$0xFFFFFFF0]  }
0x223: {  	v58 =	vld [tilespmem:s21+$0x70];
	v56 =	vmul.f32 v34, v32;
	v57 =	vmul.f32 v36, v35  }
0x224: {  	v20 =	vmul.f32 v22, v20;
	v17 =	vmul.f32 v47, v24  }
0x225: {  	v59 =	vadd.f32 v56, v53;
	v15 =	vmul.f32 v49, v15;
	v60 =	vadd.f32 v57, v54  }
0x226: {  	v19 =	vadd.f32 v20, v50;
	v12 =	vmul.f32 v52, v12;
	v17 =	vadd.f32 v17, v51  }
0x227: {  	v11 =	vmul.f32 v55, v11;
	v14 =	vadd.f32 v48, v59;
	v15 =	vadd.f32 v15, v60  }
0x228: {  	v18 =	vadd.f32 v18, v19;
	v10 =	vmul.f32 v58, v10;
	v12 =	vadd.f32 v12, v17  }
0x229: {  	v14 =	vadd.f32 v16, v14;
	v11 =	vadd.f32 v11, v15  }
0x22a: {  	v13 =	vadd.f32 v13, v18;
	v10 =	vadd.f32 v10, v12  }
0x22b: {  	v11 =	vadd.f32 v11, v14  }
0x22c: {  	v10 =	vadd.f32 v10, v13  }
0x22d: {  	v61 =	vperm.xlane v11, v0  }
0x22e: {  	v13 =	vperm.xlane v10, v0  }
0x22f: {  	v11 =	vadd.f32 v11, v61  }
0x230: {  	v10 =	vadd.f32 v10, v13  }
0x231: {  	v12 =	vperm.xlane v11, v1  }
0x232: {  	v13 =	vperm.xlane v10, v1  }
0x233: {  	v11 =	vadd.f32 v11, v12  }
0x234: {  	v10 =	vadd.f32 v10, v13  }
0x235: {  	v12 =	vperm.xlane v11, v2  }
0x236: {  	v13 =	vperm.xlane v10, v2  }
0x237: {  	v11 =	vadd.f32 v11, v12  }
0x238: {  	v10 =	vadd.f32 v10, v13  }
0x239: {  	v12 =	vperm.xlane v11, v3  }
0x23a: {  	v13 =	vperm.xlane v10, v3  }
0x23b: {  	v62 =	vmov s20;
	s0 =	sadd.s32 $0x1, s20;
	v11 =	vadd.f32 v11, v12  }
0x23c: {  	vm0 =	veq.s32 v62, v4;
	v63 =	vmov s0;
	v10 =	vadd.f32 v10, v13  }
0x23d: {  	vm15 =	veq.s32 v63, v4;
	v9 =	vsel vm0, v11, v9  }
0x23e: {  	s16 =	sadd.s32 $0x1, s16;
	v9 =	vsel vm15, v10, v9  }
0x23f: {  	p0 =	sne.s32 s16, $0x5;
	v10 =	vmul.f32 v9, v5  }
.Ltmp11:
0x240: {  	v9 =	vmul.f32 v9, v6;
	(pc) =	sbr.rel @p0 .LBB2_21-.Ltmp11, $4  }
0x241: {  	v10 =	vadd.f32 v10, v7  }
0x242: {  	v9 =	vadd.f32 v9, v8  }
0x243: {  	[tilespmem:s19+$0x1B5C0] =	vst v10  }
0x244: {  	s17 =	sadd.s32 $0x800, s17;
	s18 =	sadd.s32 $0x800, s18;
	[tilespmem:s19+$0x1DD40] =	vst v9  }
0x245: {  	s0 =	simm.s32 $0x18F00  }
0x246: {  	[hbm4b:s10+s3] =	stream.linear.scatter [tilespmem:s0], [sflag:$0x5], $0x2710, $0x38;
	[tilespmem:$0x1E000] =	vst v63  }
0x247: {  	s8 =	sadd.s32 $0x1, s8;
	_ =	swait.ge [sflag:s12], $0x2710  }
0x248: {  	p0 =	sne.s32 s8, s11;
	[sflag:s12] =	ssyncset.done $0x0  }
.Ltmp12:
0x249: {  	s25 =	simm.s32 $0x1B680;
	[sflag:s12] =	ssyncadd.s32 $0xFFFFD8F0;
	(pc) =	sbr.rel @p0 .LBB2_1-.Ltmp12, $4  }
0x24a: {  	[hbm4b:s7+s3] =	stream.linear.scatter [tilespmem:s25], [sflag:$0x5], $0x2710, $0x38;
	[tilespmem:$0x1E000] =	vst v63  }
0x24b: {  	_ =	swait.ge [sflag:s12], $0x2710  }
0x24c: {  	[sflag:s12] =	ssyncset.done $0x0  }
0x24d: {  	[sflag:s12] =	ssyncadd.s32 $0xFFFFD8F0  }
0x24e: {  	_ =	sfence.sel $0x180000  }
0x24f: {  	[bflag:$0x0] =	sbarrier.arrive $0xFFFF  }
0x250: {  	_ =	strace $0x90000047  }
0x251: {  	s0 =	stileid.u32;
	[bflag:$0x2] =	sbarrier.arrive $0xFFFF  }
0x252: {  	p0 =	sne.s32 s0, $0x0;
	s0 =	rddreg [dreg:$0x4]  }
0x253: {  	s0 =	sadd.s32 @!p0 $0x100000, s0  }
0x254: {  	[sflag:s0] =	ssyncadd.tile.s32 @!p0 $0x1;
	_ =	shalt  }
.Lfunc_end2:
_tile_overlayer_lowered:
.L_overlay_start_2:
0x255: {  	(tag) =	ssettag $0x2  }
0x256: {  	s0 =	rddreg [dreg:$0x0];
	s2 =	stileid.u32  }
0x257: {  	s1 =	rddreg [dreg:$0x1];
	p0 =	sne.s32 s2, $0x0  }
0x258: {  	s3 =	rddreg [dreg:$0x2];
	[bflag:$0x3] =	sbarrier.arrive $0xFFFF;
	s2 =	simm.s32 @!p0 $0x1C05  }
0x259: {  	[timem:s3], [sflag:s2] =	dma.local @!p0 [hbm:s0], s1  }
0x25a: {  	s0 =	simm.s32 @!p0 $0x5  }
0x25b: {  	_ =	swait.ge @!p0 [sflag:s0], s1  }
0x25c: {  	s1 =	ssub.s32 @!p0 $0x0, s1;
	[sflag:s0] =	ssyncset.done @!p0 $0x0  }
0x25d: {  	[sflag:s0] =	ssyncadd.s32 @!p0 s1  }
0x25e: {  	[bflag:$0x3] =	sbarrier.arrive $0xFFFF  }
0x25f: {  	_ =	shalt  }

</sc_bundles>
